<compile_context>
chip_gen: v7x
topology: tpu7x:2x2x1
jax: 0.10.2.dev20260603
libtpu: 0.0.44.dev20260713+nightly
codegen_flags: <defaults>
</compile_context>

<pallas_src>
import functools

import jax
import jax.numpy as jnp
from jax import lax
from jax.experimental import pallas as pl
from jax.experimental.pallas import tpu as pltpu
from jax.experimental.pallas import tpu_sc as plsc

N_NODES = 10000
N_EDGES = 320000
D = 128
DH = D // 2
NC, NS, LANES = 2, 16, 16
NW = NC * NS
K = 64
NCH = 160
EPT = NCH * K
NCHA = 320
N_PAD = 10240
RPT = N_PAD // NS
BR = 2048

_mesh = plsc.VectorSubcoreMesh(core_axis_name="c", subcore_axis_name="s",
                               num_cores=NC, num_subcores=NS)
_sc_params = pltpu.CompilerParams(needs_layout_passes=False,
                                  use_tc_tiling_on_sc=False)


@functools.partial(
    pl.kernel,
    out_type=jax.ShapeDtypeStruct((NW, N_PAD), jnp.float32),
    mesh=_mesh,
    compiler_params=_sc_params,
    scratch_types=[pltpu.VMEM((NCH, K), jnp.int32),
                   pltpu.VMEM((N_PAD,), jnp.float32)])
def _deg_kernel(dst_hbm, out_hbm, dst_v, hist_v):
    c = lax.axis_index("c")
    s = lax.axis_index("s")
    wid = s * NC + c
    pltpu.sync_copy(dst_hbm.at[wid], dst_v)
    zeros16 = jnp.zeros((LANES,), jnp.float32)

    def zero_body(i, _):
        hist_v[pl.ds(i * LANES, LANES)] = zeros16
        return 0
    lax.fori_loop(0, N_PAD // LANES, zero_body, 0)

    ones16 = jnp.ones((LANES,), jnp.float32)

    def hist_body(j, _):
        for k in range(K // LANES):
            idx = dst_v[j, pl.ds(k * LANES, LANES)]
            plsc.addupdate_scatter(hist_v, [idx], ones16)
        return 0
    lax.fori_loop(0, NCH, hist_body, 0)
    pltpu.sync_copy(hist_v, out_hbm.at[wid])


@functools.partial(
    pl.kernel,
    out_type=jax.ShapeDtypeStruct((NC, N_PAD, DH), jnp.float32),
    mesh=_mesh,
    compiler_params=_sc_params,
    scratch_types=[pltpu.VMEM((NCHA, K), jnp.int32),
                   pltpu.VMEM((NCHA, K), jnp.int32),
                   pltpu.VMEM((8, K, DH), jnp.float32),
                   pltpu.VMEM((128, DH), jnp.float32),
                   pltpu.VMEM_SHARED((N_PAD, DH), jnp.float32),
                   pltpu.SemaphoreType.DMA((8,)),
                   pltpu.SemaphoreType.DMA((8,))])
def _agg_kernel(y2_hbm, src_hbm, dst_hbm, out_hbm,
                src_v, dst_v, rows_v, wb_v, acc_sh, gsems, ssems):
    c = lax.axis_index("c")
    s = lax.axis_index("s")
    zeros16 = jnp.zeros((LANES,), jnp.float32)

    def zero_body(i, _):
        for k in range(DH // LANES):
            wb_v[i, pl.ds(k * LANES, LANES)] = zeros16
        return 0
    lax.fori_loop(0, 128, zero_body, 0)
    base = s * RPT

    def zinit_body(i, _):
        pltpu.sync_copy(wb_v, acc_sh.at[pl.ds(base + i * 128, 128)])
        return 0
    lax.fori_loop(0, RPT // 128, zinit_body, 0)
    pltpu.sync_copy(src_hbm.at[s], src_v)
    pltpu.sync_copy(dst_hbm.at[s], dst_v)
    plsc.subcore_barrier()

    yc = y2_hbm.at[c]

    def chunk_body(j, _):
        b = lax.rem(j, 8)

        @pl.when(j >= 8)
        def _slot_free():
            pltpu.make_async_copy(
                yc.at[pl.ds(0, K)], rows_v.at[b], ssems.at[b]).wait()

        @pl.when(j < NCHA)
        def _prefetch():
            pltpu.async_copy(yc.at[src_v.at[j]], rows_v.at[b], gsems.at[b])

        @pl.when(jnp.logical_and(j >= 4, j < NCHA + 4))
        def _consume():
            jm = j - 4
            bm = lax.rem(jm, 8)
            pltpu.make_async_copy(
                yc.at[pl.ds(0, K)], rows_v.at[bm], gsems.at[bm]).wait()
            pltpu.async_copy(rows_v.at[bm], acc_sh.at[dst_v.at[jm]],
                             ssems.at[bm], add=True)
        return 0
    lax.fori_loop(0, NCHA + 8, chunk_body, 0)
    plsc.subcore_barrier()

    def wb_body(i, _):
        off = base + i * 128
        pltpu.sync_copy(acc_sh.at[pl.ds(off, 128)], wb_v)
        pltpu.sync_copy(wb_v, out_hbm.at[c, pl.ds(off, 128)])
        return 0
    lax.fori_loop(0, RPT // 128, wb_body, 0)


def _dinv_block(parts_ref):
    deg = jnp.sum(parts_ref[...], axis=0) + 1.0
    return lax.rsqrt(deg)


def _mm_body(x_ref, w_ref, parts_ref, y2_ref):
    dinv = _dinv_block(parts_ref)
    xw = jnp.dot(x_ref[...], w_ref[...], preferred_element_type=jnp.float32)
    y = xw * dinv[:, None]
    y2_ref[0] = y[:, :DH]
    y2_ref[1] = y[:, DH:]


def _fin_body(acc_ref, y2_ref, parts_ref, b_ref, o_ref):
    dinv = _dinv_block(parts_ref)
    t = jnp.concatenate(
        [acc_ref[0] + y2_ref[0], acc_ref[1] + y2_ref[1]], axis=1)
    o_ref[...] = jnp.maximum(t * dinv[:, None] + b_ref[...], 0.0)


def kernel(x, edge_index, batch, W, b):
    del batch
    src = edge_index[0]
    dst = edge_index[1]
    pad = NW * EPT - N_EDGES
    src_p = jnp.concatenate([src, jnp.zeros((pad,), jnp.int32)])
    dst_p = jnp.concatenate([dst, jnp.full((pad,), N_NODES, jnp.int32)])

    parts = _deg_kernel(dst_p.reshape(NW, NCH, K))

    y2 = pl.pallas_call(
        _mm_body,
        grid=(pl.cdiv(N_NODES, BR),),
        in_specs=[pl.BlockSpec((BR, D), lambda i: (i, 0)),
                  pl.BlockSpec((D, D), lambda i: (0, 0)),
                  pl.BlockSpec((NW, BR), lambda i: (0, i))],
        out_specs=pl.BlockSpec((NC, BR, DH), lambda i: (0, i, 0)),
        out_shape=jax.ShapeDtypeStruct((NC, N_NODES, DH), jnp.float32),
    )(x, W, parts)

    accs = _agg_kernel(y2, src_p.reshape(NS, NCHA, K),
                       dst_p.reshape(NS, NCHA, K))

    out = pl.pallas_call(
        _fin_body,
        grid=(pl.cdiv(N_NODES, BR),),
        in_specs=[pl.BlockSpec((NC, BR, DH), lambda i: (0, i, 0)),
                  pl.BlockSpec((NC, BR, DH), lambda i: (0, i, 0)),
                  pl.BlockSpec((NW, BR), lambda i: (0, i)),
                  pl.BlockSpec((1, D), lambda i: (0, 0))],
        out_specs=pl.BlockSpec((BR, D), lambda i: (i, 0)),
        out_shape=jax.ShapeDtypeStruct((N_NODES, D), jnp.float32),
    )(accs, y2, parts, b.reshape(1, D))
    return (out, None)

# --- scband reference (transcript-rebuilt; emitter-appended) ---
"""Pipeline reference for scband-gcnlayer-49503793054215 (READ-ONLY COPY).

The authoritative reference and input builder live on the scoring server;
editing this copy changes nothing except your own understanding.
"""

import jax, jax.numpy as jnp
import numpy as np

N = 10000
E = 320000
D_IN = 128
D_OUT = 128


def setup_inputs(seed: int = 0) -> dict:
    key = jax.random.key(seed)
    k1, k2, k3, k4, k5 = jax.random.split(key, 5)
    x = jax.random.normal(k1, (N, D_IN), dtype=jnp.float32)
    edge_index = jax.random.randint(k2, (2, E), 0, N, dtype=jnp.int32)
    batch = jnp.sort(jax.random.randint(k3, (N,), 0, 64, dtype=jnp.int32))
    # GCNConv parameters (glorot-ish weight, zero bias)
    W = jax.random.normal(k4, (D_IN, D_OUT), dtype=jnp.float32) * (1.0 / np.sqrt(D_IN))
    b = jnp.zeros((D_OUT,), dtype=jnp.float32)
    return {"x": x, "edge_index": edge_index, "batch": batch, "W": W, "b": b}


def reference(x, edge_index, batch, W, b):
    # Faithful GCNConv: add self-loops, symmetric normalization, linear transform,
    # scatter-add aggregation, bias, then ReLU. collect_embeddings=False path,
    # so `batch` is unused and the second output is None.
    n = x.shape[0]
    xw = x @ W
    loop = jnp.arange(n, dtype=edge_index.dtype)
    src = jnp.concatenate([edge_index[0], loop])
    dst = jnp.concatenate([edge_index[1], loop])
    ones = jnp.ones(src.shape[0], dtype=x.dtype)
    deg = jnp.zeros((n,), dtype=x.dtype).at[dst].add(ones)
    dinv = jnp.where(deg > 0, deg ** -0.5, 0.0)
    norm = dinv[src] * dinv[dst]
    msg = xw[src] * norm[:, None]
    out = jnp.zeros((n, xw.shape[1]), dtype=x.dtype).at[dst].add(msg)
    out = out + b
    out = jax.nn.relu(out)
    return (out, None)

if __name__ == "__main__":
    import jax
    _d = setup_inputs()
    print(jax.jit(kernel)(*tuple(_d.values())))

</pallas_src>

<mosaic_0001>
#map = affine_map<(d0, d1) -> (0, 0, 0)>
#map1 = affine_map<(d0, d1) -> (0, 0)>
module attributes {stable_mosaic.version = 14 : i64} {
  func.func @_deg_kernel(%arg0: i32, %arg1: i32, %arg2: memref<32x160x64xi32, #tpu.memory_space<hbm>>, %arg3: memref<32x10240xf32, #tpu.memory_space<hbm>>, %arg4: memref<160x64xi32, #tpu.memory_space<vmem>>, %arg5: memref<10240xf32, #tpu.memory_space<vmem>>) attributes {dimension_semantics = [#tpu.dimension_semantics<core_parallel>, #tpu.dimension_semantics<subcore_parallel>], iteration_bounds = array<i64: 2, 16>, scalar_prefetch = 0 : i64, scratch_operands = 2 : i64, tpu.core_type = #tpu.core_type<sc_vector_subcore>, window_params = [{transform_indices = #map}, {transform_indices = #map1}]} {
    %mul3A = arith.constant 2 : i32
    %mul3A_0 = arith.muli %arg1, %mul3A : i32
    %add3A = arith.addi %mul3A_0, %arg0 : i32
    "tpu.region"() ({
      %run_scoped3A = tpu.sem_alloc : memref<!tpu.dma_semaphore, #tpu.memory_space<semaphore_mem>>
      %dma_start3A = arith.constant 0 : i32
      %dma_start3A_17 = arith.constant 0 : i32
      %dma_start3A_18 = tpu.memref_slice %arg2[%add3A, %dma_start3A, %dma_start3A_17] : memref<32x160x64xi32, #tpu.memory_space<hbm>> -> memref<1x160x64xi32, #tpu.memory_space<hbm>>
      %dma_start3A_19 = tpu.memref_squeeze %dma_start3A_18 : memref<1x160x64xi32, #tpu.memory_space<hbm>> -> memref<160x64xi32, #tpu.memory_space<hbm>>
      %dma_start3A_20 = arith.constant 0 : i32
      %dma_start3A_21 = arith.constant 0 : i32
      %dma_start3A_22 = tpu.memref_slice %arg2[%add3A, %dma_start3A_20, %dma_start3A_21] : memref<32x160x64xi32, #tpu.memory_space<hbm>> -> memref<1x160x64xi32, #tpu.memory_space<hbm>>
      %dma_start3A_23 = tpu.memref_squeeze %dma_start3A_22 : memref<1x160x64xi32, #tpu.memory_space<hbm>> -> memref<160x64xi32, #tpu.memory_space<hbm>>
      tpu.enqueue_dma source(%dma_start3A_23 : memref<160x64xi32, #tpu.memory_space<hbm>>) target(%arg4 : memref<160x64xi32, #tpu.memory_space<vmem>>) target_semaphore(%run_scoped3A : memref<!tpu.dma_semaphore, #tpu.memory_space<semaphore_mem>>)
      %dma_wait3A = arith.constant 0 : i32
      %dma_wait3A_24 = arith.constant 0 : i32
      %dma_wait3A_25 = tpu.memref_slice %arg2[%add3A, %dma_wait3A, %dma_wait3A_24] : memref<32x160x64xi32, #tpu.memory_space<hbm>> -> memref<1x160x64xi32, #tpu.memory_space<hbm>>
      %dma_wait3A_26 = tpu.memref_squeeze %dma_wait3A_25 : memref<1x160x64xi32, #tpu.memory_space<hbm>> -> memref<160x64xi32, #tpu.memory_space<hbm>>
      %dma_wait3A_27 = arith.constant 0 : i32
      %dma_wait3A_28 = arith.constant 0 : i32
      %dma_wait3A_29 = tpu.memref_slice %arg2[%add3A, %dma_wait3A_27, %dma_wait3A_28] : memref<32x160x64xi32, #tpu.memory_space<hbm>> -> memref<1x160x64xi32, #tpu.memory_space<hbm>>
      %dma_wait3A_30 = tpu.memref_squeeze %dma_wait3A_29 : memref<1x160x64xi32, #tpu.memory_space<hbm>> -> memref<160x64xi32, #tpu.memory_space<hbm>>
      tpu.wait_dma2 semaphore(%run_scoped3A : memref<!tpu.dma_semaphore, #tpu.memory_space<semaphore_mem>>) src(%dma_wait3A_30 : memref<160x64xi32, #tpu.memory_space<hbm>>) dst(%arg4 : memref<160x64xi32, #tpu.memory_space<vmem>>)
      tpu.yield
    }) : () -> ()
    %broadcast_in_dim3A = arith.constant 0.000000e+00 : f32
    %broadcast_in_dim3A_1 = vector.broadcast %broadcast_in_dim3A : f32 to vector<16xf32>
    %scan3A = arith.constant 0 : i32
    %scan3A_2 = arith.constant 0 : i32
    %scan3A_3 = arith.constant 640 : i32
    %scan3A_4 = arith.addi %scan3A_2, %scan3A_3 : i32
    %scan3A_5 = arith.constant 1 : i32
    %scan3A_6 = scf.for %scan3A_17 = %scan3A_2 to %scan3A_4 step %scan3A_5 iter_args(%scan3A_18 = %scan3A) -> (i32)  : i32 {
      %mul3A_19 = arith.constant 16 : i32
      %mul3A_20 = arith.muli %scan3A_17, %mul3A_19 : i32
      %swap3A = arith.index_cast %mul3A_20 : i32 to index
      %swap3A_21 = tpu.vector_load %arg5[%swap3A] {strides = array<i32>} : memref<10240xf32, #tpu.memory_space<vmem>>, vector<16xf32>,
      tpu.vector_store %arg5[%swap3A], %broadcast_in_dim3A_1 {strides = array<i32>} : memref<10240xf32, #tpu.memory_space<vmem>>, vector<16xf32>,
      %scan3A_22 = arith.constant 0 : i32
      scf.yield %scan3A_22 : i32
    }
    %scan3A_7 = arith.constant 640 : i32
    %broadcast_in_dim3A_8 = arith.constant 1.000000e+00 : f32
    %broadcast_in_dim3A_9 = vector.broadcast %broadcast_in_dim3A_8 : f32 to vector<16xf32>
    %scan3A_10 = arith.constant 0 : i32
    %scan3A_11 = arith.constant 0 : i32
    %scan3A_12 = arith.constant 160 : i32
    %scan3A_13 = arith.addi %scan3A_11, %scan3A_12 : i32
    %scan3A_14 = arith.constant 1 : i32
    %scan3A_15 = scf.for %scan3A_17 = %scan3A_11 to %scan3A_13 step %scan3A_14 iter_args(%scan3A_18 = %scan3A_10) -> (i32)  : i32 {
      %get3A = arith.index_cast %scan3A_17 : i32 to index
      %get3A_19 = arith.constant 0 : index
      %get3A_20 = tpu.vector_load %arg4[%get3A, %get3A_19] {strides = array<i32>} : memref<160x64xi32, #tpu.memory_space<vmem>>, vector<16xi32>,
      tpu.vector_store_idx %arg5[%get3A_20], %broadcast_in_dim3A_9 {add = true} : memref<10240xf32, #tpu.memory_space<vmem>>[vector<16xi32>], vector<16xf32>,
      %get3A_21 = arith.index_cast %scan3A_17 : i32 to index
      %get3A_22 = arith.constant 16 : index
      %get3A_23 = tpu.vector_load %arg4[%get3A_21, %get3A_22] {strides = array<i32>} : memref<160x64xi32, #tpu.memory_space<vmem>>, vector<16xi32>,
      tpu.vector_store_idx %arg5[%get3A_23], %broadcast_in_dim3A_9 {add = true} : memref<10240xf32, #tpu.memory_space<vmem>>[vector<16xi32>], vector<16xf32>,
      %get3A_24 = arith.index_cast %scan3A_17 : i32 to index
      %get3A_25 = arith.constant 32 : index
      %get3A_26 = tpu.vector_load %arg4[%get3A_24, %get3A_25] {strides = array<i32>} : memref<160x64xi32, #tpu.memory_space<vmem>>, vector<16xi32>,
      tpu.vector_store_idx %arg5[%get3A_26], %broadcast_in_dim3A_9 {add = true} : memref<10240xf32, #tpu.memory_space<vmem>>[vector<16xi32>], vector<16xf32>,
      %get3A_27 = arith.index_cast %scan3A_17 : i32 to index
      %get3A_28 = arith.constant 48 : index
      %get3A_29 = tpu.vector_load %arg4[%get3A_27, %get3A_28] {strides = array<i32>} : memref<160x64xi32, #tpu.memory_space<vmem>>, vector<16xi32>,
      tpu.vector_store_idx %arg5[%get3A_29], %broadcast_in_dim3A_9 {add = true} : memref<10240xf32, #tpu.memory_space<vmem>>[vector<16xi32>], vector<16xf32>,
      %scan3A_30 = arith.constant 0 : i32
      scf.yield %scan3A_30 : i32
    }
    %scan3A_16 = arith.constant 160 : i32
    "tpu.region"() ({
      %run_scoped3A = tpu.sem_alloc : memref<!tpu.dma_semaphore, #tpu.memory_space<semaphore_mem>>
      %dma_start3A = arith.constant 0 : i32
      %dma_start3A_17 = tpu.memref_slice %arg3[%add3A, %dma_start3A] : memref<32x10240xf32, #tpu.memory_space<hbm>> -> memref<1x10240xf32, #tpu.memory_space<hbm>>
      %dma_start3A_18 = tpu.memref_squeeze %dma_start3A_17 : memref<1x10240xf32, #tpu.memory_space<hbm>> -> memref<10240xf32, #tpu.memory_space<hbm>>
      %dma_start3A_19 = arith.constant 0 : i32
      %dma_start3A_20 = tpu.memref_slice %arg3[%add3A, %dma_start3A_19] : memref<32x10240xf32, #tpu.memory_space<hbm>> -> memref<1x10240xf32, #tpu.memory_space<hbm>>
      %dma_start3A_21 = tpu.memref_squeeze %dma_start3A_20 : memref<1x10240xf32, #tpu.memory_space<hbm>> -> memref<10240xf32, #tpu.memory_space<hbm>>
      tpu.enqueue_dma source(%arg5 : memref<10240xf32, #tpu.memory_space<vmem>>) target(%dma_start3A_21 : memref<10240xf32, #tpu.memory_space<hbm>>) target_semaphore(%run_scoped3A : memref<!tpu.dma_semaphore, #tpu.memory_space<semaphore_mem>>)
      %dma_wait3A = arith.constant 0 : i32
      %dma_wait3A_22 = tpu.memref_slice %arg3[%add3A, %dma_wait3A] : memref<32x10240xf32, #tpu.memory_space<hbm>> -> memref<1x10240xf32, #tpu.memory_space<hbm>>
      %dma_wait3A_23 = tpu.memref_squeeze %dma_wait3A_22 : memref<1x10240xf32, #tpu.memory_space<hbm>> -> memref<10240xf32, #tpu.memory_space<hbm>>
      %dma_wait3A_24 = arith.constant 0 : i32
      %dma_wait3A_25 = tpu.memref_slice %arg3[%add3A, %dma_wait3A_24] : memref<32x10240xf32, #tpu.memory_space<hbm>> -> memref<1x10240xf32, #tpu.memory_space<hbm>>
      %dma_wait3A_26 = tpu.memref_squeeze %dma_wait3A_25 : memref<1x10240xf32, #tpu.memory_space<hbm>> -> memref<10240xf32, #tpu.memory_space<hbm>>
      tpu.wait_dma2 semaphore(%run_scoped3A : memref<!tpu.dma_semaphore, #tpu.memory_space<semaphore_mem>>) src(%arg5 : memref<10240xf32, #tpu.memory_space<vmem>>) dst(%dma_wait3A_26 : memref<10240xf32, #tpu.memory_space<hbm>>)
      tpu.yield
    }) : () -> ()
    return
  }
}

#map = affine_map<(d0, d1) -> (0, 0, 0)>
module attributes {stable_mosaic.version = 14 : i64} {
  func.func @_agg_kernel(%arg0: i32, %arg1: i32, %arg2: memref<2x10000x64xf32, #tpu.memory_space<hbm>>, %arg3: memref<16x320x64xi32, #tpu.memory_space<hbm>>, %arg4: memref<16x320x64xi32, #tpu.memory_space<hbm>>, %arg5: memref<2x10240x64xf32, #tpu.memory_space<hbm>>, %arg6: memref<320x64xi32, #tpu.memory_space<vmem>>, %arg7: memref<320x64xi32, #tpu.memory_space<vmem>>, %arg8: memref<8x64x64xf32, #tpu.memory_space<vmem>>, %arg9: memref<128x64xf32, #tpu.memory_space<vmem>>, %arg10: memref<10240x64xf32, #tpu.memory_space<vmem_shared>>, %arg11: memref<8x!tpu.dma_semaphore, #tpu.memory_space<semaphore_mem>>, %arg12: memref<8x!tpu.dma_semaphore, #tpu.memory_space<semaphore_mem>>) attributes {dimension_semantics = [#tpu.dimension_semantics<core_parallel>, #tpu.dimension_semantics<subcore_parallel>], iteration_bounds = array<i64: 2, 16>, scalar_prefetch = 0 : i64, scratch_operands = 7 : i64, tpu.core_type = #tpu.core_type<sc_vector_subcore>, window_params = [{transform_indices = #map}, {transform_indices = #map}, {transform_indices = #map}, {transform_indices = #map}]} {
    %broadcast_in_dim3A = arith.constant 0.000000e+00 : f32
    %broadcast_in_dim3A_0 = vector.broadcast %broadcast_in_dim3A : f32 to vector<16xf32>
    %scan3A = arith.constant 0 : i32
    %scan3A_1 = arith.constant 0 : i32
    %scan3A_2 = arith.constant 128 : i32
    %scan3A_3 = arith.addi %scan3A_1, %scan3A_2 : i32
    %scan3A_4 = arith.constant 1 : i32
    %scan3A_5 = scf.for %scan3A_30 = %scan3A_1 to %scan3A_3 step %scan3A_4 iter_args(%scan3A_31 = %scan3A) -> (i32)  : i32 {
      %swap3A = arith.index_cast %scan3A_30 : i32 to index
      %swap3A_32 = arith.constant 0 : index
      %swap3A_33 = tpu.vector_load %arg9[%swap3A, %swap3A_32] {strides = array<i32>} : memref<128x64xf32, #tpu.memory_space<vmem>>, vector<16xf32>,
      tpu.vector_store %arg9[%swap3A, %swap3A_32], %broadcast_in_dim3A_0 {strides = array<i32>} : memref<128x64xf32, #tpu.memory_space<vmem>>, vector<16xf32>,
      %swap3A_34 = arith.index_cast %scan3A_30 : i32 to index
      %swap3A_35 = arith.constant 16 : index
      %swap3A_36 = tpu.vector_load %arg9[%swap3A_34, %swap3A_35] {strides = array<i32>} : memref<128x64xf32, #tpu.memory_space<vmem>>, vector<16xf32>,
      tpu.vector_store %arg9[%swap3A_34, %swap3A_35], %broadcast_in_dim3A_0 {strides = array<i32>} : memref<128x64xf32, #tpu.memory_space<vmem>>, vector<16xf32>,
      %swap3A_37 = arith.index_cast %scan3A_30 : i32 to index
      %swap3A_38 = arith.constant 32 : index
      %swap3A_39 = tpu.vector_load %arg9[%swap3A_37, %swap3A_38] {strides = array<i32>} : memref<128x64xf32, #tpu.memory_space<vmem>>, vector<16xf32>,
      tpu.vector_store %arg9[%swap3A_37, %swap3A_38], %broadcast_in_dim3A_0 {strides = array<i32>} : memref<128x64xf32, #tpu.memory_space<vmem>>, vector<16xf32>,
      %swap3A_40 = arith.index_cast %scan3A_30 : i32 to index
      %swap3A_41 = arith.constant 48 : index
      %swap3A_42 = tpu.vector_load %arg9[%swap3A_40, %swap3A_41] {strides = array<i32>} : memref<128x64xf32, #tpu.memory_space<vmem>>, vector<16xf32>,
      tpu.vector_store %arg9[%swap3A_40, %swap3A_41], %broadcast_in_dim3A_0 {strides = array<i32>} : memref<128x64xf32, #tpu.memory_space<vmem>>, vector<16xf32>,
      %scan3A_43 = arith.constant 0 : i32
      scf.yield %scan3A_43 : i32
    }
    %scan3A_6 = arith.constant 128 : i32
    %mul3A = arith.constant 640 : i32
    %mul3A_7 = arith.muli %arg1, %mul3A : i32
    %scan3A_8 = arith.constant 0 : i32
    %scan3A_9 = arith.constant 0 : i32
    %scan3A_10 = arith.constant 5 : i32
    %scan3A_11 = arith.addi %scan3A_9, %scan3A_10 : i32
    %scan3A_12 = arith.constant 1 : i32
    %scan3A_13 = scf.for %scan3A_30 = %scan3A_9 to %scan3A_11 step %scan3A_12 iter_args(%scan3A_31 = %scan3A_8) -> (i32)  : i32 {
      %mul3A_32 = arith.constant 128 : i32
      %mul3A_33 = arith.muli %scan3A_30, %mul3A_32 : i32
      %add3A = arith.addi %mul3A_7, %mul3A_33 : i32
      "tpu.region"() ({
        %run_scoped3A = tpu.sem_alloc : memref<!tpu.dma_semaphore, #tpu.memory_space<semaphore_mem>>
        %dma_start3A = arith.constant 0 : i32
        %dma_start3A_35 = tpu.memref_slice %arg10[%add3A, %dma_start3A] : memref<10240x64xf32, #tpu.memory_space<vmem_shared>> -> memref<128x64xf32, #tpu.memory_space<vmem_shared>>
        %dma_start3A_36 = arith.constant 0 : i32
        %dma_start3A_37 = tpu.memref_slice %arg10[%add3A, %dma_start3A_36] : memref<10240x64xf32, #tpu.memory_space<vmem_shared>> -> memref<128x64xf32, #tpu.memory_space<vmem_shared>>
        tpu.enqueue_dma source(%arg9 : memref<128x64xf32, #tpu.memory_space<vmem>>) target(%dma_start3A_37 : memref<128x64xf32, #tpu.memory_space<vmem_shared>>) target_semaphore(%run_scoped3A : memref<!tpu.dma_semaphore, #tpu.memory_space<semaphore_mem>>)
        %dma_wait3A = arith.constant 0 : i32
        %dma_wait3A_38 = tpu.memref_slice %arg10[%add3A, %dma_wait3A] : memref<10240x64xf32, #tpu.memory_space<vmem_shared>> -> memref<128x64xf32, #tpu.memory_space<vmem_shared>>
        %dma_wait3A_39 = arith.constant 0 : i32
        %dma_wait3A_40 = tpu.memref_slice %arg10[%add3A, %dma_wait3A_39] : memref<10240x64xf32, #tpu.memory_space<vmem_shared>> -> memref<128x64xf32, #tpu.memory_space<vmem_shared>>
        tpu.wait_dma2 semaphore(%run_scoped3A : memref<!tpu.dma_semaphore, #tpu.memory_space<semaphore_mem>>) src(%arg9 : memref<128x64xf32, #tpu.memory_space<vmem>>) dst(%dma_wait3A_40 : memref<128x64xf32, #tpu.memory_space<vmem_shared>>)
        tpu.yield
      }) : () -> ()
      %scan3A_34 = arith.constant 0 : i32
      scf.yield %scan3A_34 : i32
    }
    %scan3A_14 = arith.constant 5 : i32
    "tpu.region"() ({
      %run_scoped3A = tpu.sem_alloc : memref<!tpu.dma_semaphore, #tpu.memory_space<semaphore_mem>>
      %dma_start3A = arith.constant 0 : i32
      %dma_start3A_30 = arith.constant 0 : i32
      %dma_start3A_31 = tpu.memref_slice %arg3[%arg1, %dma_start3A, %dma_start3A_30] : memref<16x320x64xi32, #tpu.memory_space<hbm>> -> memref<1x320x64xi32, #tpu.memory_space<hbm>>
      %dma_start3A_32 = tpu.memref_squeeze %dma_start3A_31 : memref<1x320x64xi32, #tpu.memory_space<hbm>> -> memref<320x64xi32, #tpu.memory_space<hbm>>
      %dma_start3A_33 = arith.constant 0 : i32
      %dma_start3A_34 = arith.constant 0 : i32
      %dma_start3A_35 = tpu.memref_slice %arg3[%arg1, %dma_start3A_33, %dma_start3A_34] : memref<16x320x64xi32, #tpu.memory_space<hbm>> -> memref<1x320x64xi32, #tpu.memory_space<hbm>>
      %dma_start3A_36 = tpu.memref_squeeze %dma_start3A_35 : memref<1x320x64xi32, #tpu.memory_space<hbm>> -> memref<320x64xi32, #tpu.memory_space<hbm>>
      tpu.enqueue_dma source(%dma_start3A_36 : memref<320x64xi32, #tpu.memory_space<hbm>>) target(%arg6 : memref<320x64xi32, #tpu.memory_space<vmem>>) target_semaphore(%run_scoped3A : memref<!tpu.dma_semaphore, #tpu.memory_space<semaphore_mem>>)
      %dma_wait3A = arith.constant 0 : i32
      %dma_wait3A_37 = arith.constant 0 : i32
      %dma_wait3A_38 = tpu.memref_slice %arg3[%arg1, %dma_wait3A, %dma_wait3A_37] : memref<16x320x64xi32, #tpu.memory_space<hbm>> -> memref<1x320x64xi32, #tpu.memory_space<hbm>>
      %dma_wait3A_39 = tpu.memref_squeeze %dma_wait3A_38 : memref<1x320x64xi32, #tpu.memory_space<hbm>> -> memref<320x64xi32, #tpu.memory_space<hbm>>
      %dma_wait3A_40 = arith.constant 0 : i32
      %dma_wait3A_41 = arith.constant 0 : i32
      %dma_wait3A_42 = tpu.memref_slice %arg3[%arg1, %dma_wait3A_40, %dma_wait3A_41] : memref<16x320x64xi32, #tpu.memory_space<hbm>> -> memref<1x320x64xi32, #tpu.memory_space<hbm>>
      %dma_wait3A_43 = tpu.memref_squeeze %dma_wait3A_42 : memref<1x320x64xi32, #tpu.memory_space<hbm>> -> memref<320x64xi32, #tpu.memory_space<hbm>>
      tpu.wait_dma2 semaphore(%run_scoped3A : memref<!tpu.dma_semaphore, #tpu.memory_space<semaphore_mem>>) src(%dma_wait3A_43 : memref<320x64xi32, #tpu.memory_space<hbm>>) dst(%arg6 : memref<320x64xi32, #tpu.memory_space<vmem>>)
      tpu.yield
    }) : () -> ()
    "tpu.region"() ({
      %run_scoped3A = tpu.sem_alloc : memref<!tpu.dma_semaphore, #tpu.memory_space<semaphore_mem>>
      %dma_start3A = arith.constant 0 : i32
      %dma_start3A_30 = arith.constant 0 : i32
      %dma_start3A_31 = tpu.memref_slice %arg4[%arg1, %dma_start3A, %dma_start3A_30] : memref<16x320x64xi32, #tpu.memory_space<hbm>> -> memref<1x320x64xi32, #tpu.memory_space<hbm>>
      %dma_start3A_32 = tpu.memref_squeeze %dma_start3A_31 : memref<1x320x64xi32, #tpu.memory_space<hbm>> -> memref<320x64xi32, #tpu.memory_space<hbm>>
      %dma_start3A_33 = arith.constant 0 : i32
      %dma_start3A_34 = arith.constant 0 : i32
      %dma_start3A_35 = tpu.memref_slice %arg4[%arg1, %dma_start3A_33, %dma_start3A_34] : memref<16x320x64xi32, #tpu.memory_space<hbm>> -> memref<1x320x64xi32, #tpu.memory_space<hbm>>
      %dma_start3A_36 = tpu.memref_squeeze %dma_start3A_35 : memref<1x320x64xi32, #tpu.memory_space<hbm>> -> memref<320x64xi32, #tpu.memory_space<hbm>>
      tpu.enqueue_dma source(%dma_start3A_36 : memref<320x64xi32, #tpu.memory_space<hbm>>) target(%arg7 : memref<320x64xi32, #tpu.memory_space<vmem>>) target_semaphore(%run_scoped3A : memref<!tpu.dma_semaphore, #tpu.memory_space<semaphore_mem>>)
      %dma_wait3A = arith.constant 0 : i32
      %dma_wait3A_37 = arith.constant 0 : i32
      %dma_wait3A_38 = tpu.memref_slice %arg4[%arg1, %dma_wait3A, %dma_wait3A_37] : memref<16x320x64xi32, #tpu.memory_space<hbm>> -> memref<1x320x64xi32, #tpu.memory_space<hbm>>
      %dma_wait3A_39 = tpu.memref_squeeze %dma_wait3A_38 : memref<1x320x64xi32, #tpu.memory_space<hbm>> -> memref<320x64xi32, #tpu.memory_space<hbm>>
      %dma_wait3A_40 = arith.constant 0 : i32
      %dma_wait3A_41 = arith.constant 0 : i32
      %dma_wait3A_42 = tpu.memref_slice %arg4[%arg1, %dma_wait3A_40, %dma_wait3A_41] : memref<16x320x64xi32, #tpu.memory_space<hbm>> -> memref<1x320x64xi32, #tpu.memory_space<hbm>>
      %dma_wait3A_43 = tpu.memref_squeeze %dma_wait3A_42 : memref<1x320x64xi32, #tpu.memory_space<hbm>> -> memref<320x64xi32, #tpu.memory_space<hbm>>
      tpu.wait_dma2 semaphore(%run_scoped3A : memref<!tpu.dma_semaphore, #tpu.memory_space<semaphore_mem>>) src(%dma_wait3A_43 : memref<320x64xi32, #tpu.memory_space<hbm>>) dst(%arg7 : memref<320x64xi32, #tpu.memory_space<vmem>>)
      tpu.yield
    }) : () -> ()
    %barrier3A = arith.constant 0 : index
    tpu.barrier barrier_id(%barrier3A)
    %scan3A_15 = arith.constant 0 : i32
    %scan3A_16 = arith.constant 0 : i32
    %scan3A_17 = arith.constant 328 : i32
    %scan3A_18 = arith.addi %scan3A_16, %scan3A_17 : i32
    %scan3A_19 = arith.constant 1 : i32
    %scan3A_20 = scf.for %scan3A_30 = %scan3A_16 to %scan3A_18 step %scan3A_19 iter_args(%scan3A_31 = %scan3A_15) -> (i32)  : i32 {
      %rem3A = arith.constant 8 : i32
      %rem3A_32 = arith.remsi %scan3A_30, %rem3A : i32
      %ge3A = arith.constant 8 : i32
      %ge3A_33 = arith.cmpi sge, %scan3A_30, %ge3A : i32
      %convert_element_type3A = arith.extui %ge3A_33 : i1 to i32
      %cond3A = arith.constant 0 : i32
      %cond3A_34 = arith.cmpi ne, %convert_element_type3A, %cond3A : i32
      scf.if %cond3A_34 {
        %dma_wait3A = arith.constant 0 : i32
        %dma_wait3A_47 = arith.constant 0 : i32
        %dma_wait3A_48 = tpu.memref_slice %arg8[%rem3A_32, %dma_wait3A, %dma_wait3A_47] : memref<8x64x64xf32, #tpu.memory_space<vmem>> -> memref<1x64x64xf32, #tpu.memory_space<vmem>>
        %dma_wait3A_49 = tpu.memref_squeeze %dma_wait3A_48 : memref<1x64x64xf32, #tpu.memory_space<vmem>> -> memref<64x64xf32, #tpu.memory_space<vmem>>
        %dma_wait3A_50 = arith.constant 0 : i32
        %dma_wait3A_51 = arith.constant 0 : i32
        %dma_wait3A_52 = tpu.memref_slice %arg2[%arg0, %dma_wait3A_50, %dma_wait3A_51] : memref<2x10000x64xf32, #tpu.memory_space<hbm>> -> memref<1x10000x64xf32, #tpu.memory_space<hbm>>
        %dma_wait3A_53 = tpu.memref_squeeze %dma_wait3A_52 : memref<1x10000x64xf32, #tpu.memory_space<hbm>> -> memref<10000x64xf32, #tpu.memory_space<hbm>>
        %dma_wait3A_54 = arith.constant 0 : i32
        %dma_wait3A_55 = arith.constant 0 : i32
        %dma_wait3A_56 = tpu.memref_slice %dma_wait3A_53[%dma_wait3A_54, %dma_wait3A_55] : memref<10000x64xf32, #tpu.memory_space<hbm>> -> memref<64x64xf32, #tpu.memory_space<hbm>>
        %dma_wait3A_57 = tpu.memref_slice %arg12[%rem3A_32] : memref<8x!tpu.dma_semaphore, #tpu.memory_space<semaphore_mem>> -> memref<1x!tpu.dma_semaphore, #tpu.memory_space<semaphore_mem>>
        %dma_wait3A_58 = tpu.memref_squeeze %dma_wait3A_57 : memref<1x!tpu.dma_semaphore, #tpu.memory_space<semaphore_mem>> -> memref<!tpu.dma_semaphore, #tpu.memory_space<semaphore_mem>>
        %dma_wait3A_59 = arith.constant 0 : i32
        %dma_wait3A_60 = arith.constant 0 : i32
        %dma_wait3A_61 = tpu.memref_slice %arg8[%rem3A_32, %dma_wait3A_59, %dma_wait3A_60] : memref<8x64x64xf32, #tpu.memory_space<vmem>> -> memref<1x64x64xf32, #tpu.memory_space<vmem>>
        %dma_wait3A_62 = tpu.memref_squeeze %dma_wait3A_61 : memref<1x64x64xf32, #tpu.memory_space<vmem>> -> memref<64x64xf32, #tpu.memory_space<vmem>>
        %dma_wait3A_63 = arith.constant 0 : i32
        %dma_wait3A_64 = arith.constant 0 : i32
        %dma_wait3A_65 = tpu.memref_slice %arg2[%arg0, %dma_wait3A_63, %dma_wait3A_64] : memref<2x10000x64xf32, #tpu.memory_space<hbm>> -> memref<1x10000x64xf32, #tpu.memory_space<hbm>>
        %dma_wait3A_66 = tpu.memref_squeeze %dma_wait3A_65 : memref<1x10000x64xf32, #tpu.memory_space<hbm>> -> memref<10000x64xf32, #tpu.memory_space<hbm>>
        %dma_wait3A_67 = arith.constant 0 : i32
        %dma_wait3A_68 = arith.constant 0 : i32
        %dma_wait3A_69 = tpu.memref_slice %dma_wait3A_66[%dma_wait3A_67, %dma_wait3A_68] : memref<10000x64xf32, #tpu.memory_space<hbm>> -> memref<64x64xf32, #tpu.memory_space<hbm>>
        tpu.wait_dma2 semaphore(%dma_wait3A_58 : memref<!tpu.dma_semaphore, #tpu.memory_space<semaphore_mem>>) src(%dma_wait3A_69 : memref<64x64xf32, #tpu.memory_space<hbm>>) dst(%dma_wait3A_62 : memref<64x64xf32, #tpu.memory_space<vmem>>)
      } else {
      }
      %lt3A = arith.constant 320 : i32
      %lt3A_35 = arith.cmpi slt, %scan3A_30, %lt3A : i32
      %convert_element_type3A_36 = arith.extui %lt3A_35 : i1 to i32
      %cond3A_37 = arith.constant 0 : i32
      %cond3A_38 = arith.cmpi ne, %convert_element_type3A_36, %cond3A_37 : i32
      scf.if %cond3A_38 {
        %dma_start3A = arith.constant 0 : i32
        %dma_start3A_47 = arith.constant 0 : i32
        %dma_start3A_48 = tpu.memref_slice %arg8[%rem3A_32, %dma_start3A, %dma_start3A_47] : memref<8x64x64xf32, #tpu.memory_space<vmem>> -> memref<1x64x64xf32, #tpu.memory_space<vmem>>
        %dma_start3A_49 = tpu.memref_squeeze %dma_start3A_48 : memref<1x64x64xf32, #tpu.memory_space<vmem>> -> memref<64x64xf32, #tpu.memory_space<vmem>>
        %dma_start3A_50 = arith.constant 0 : i32
        %dma_start3A_51 = tpu.memref_slice %arg6[%scan3A_30, %dma_start3A_50] : memref<320x64xi32, #tpu.memory_space<vmem>> -> memref<1x64xi32, #tpu.memory_space<vmem>>
        %dma_start3A_52 = tpu.memref_squeeze %dma_start3A_51 : memref<1x64xi32, #tpu.memory_space<vmem>> -> memref<64xi32, #tpu.memory_space<vmem>>
        %dma_start3A_53 = arith.constant 0 : i32
        %dma_start3A_54 = arith.constant 0 : i32
        %dma_start3A_55 = tpu.memref_slice %arg2[%arg0, %dma_start3A_53, %dma_start3A_54] : memref<2x10000x64xf32, #tpu.memory_space<hbm>> -> memref<1x10000x64xf32, #tpu.memory_space<hbm>>
        %dma_start3A_56 = tpu.memref_squeeze %dma_start3A_55 : memref<1x10000x64xf32, #tpu.memory_space<hbm>> -> memref<10000x64xf32, #tpu.memory_space<hbm>>
        %dma_start3A_57 = arith.constant 0 : i32
        %dma_start3A_58 = arith.constant 0 : i32
        %dma_start3A_59 = tpu.memref_slice %dma_start3A_56[%dma_start3A_57, %dma_start3A_58] : memref<10000x64xf32, #tpu.memory_space<hbm>> -> memref<10000x64xf32, #tpu.memory_space<hbm>>
        %dma_start3A_60 = tpu.memref_slice %arg11[%rem3A_32] : memref<8x!tpu.dma_semaphore, #tpu.memory_space<semaphore_mem>> -> memref<1x!tpu.dma_semaphore, #tpu.memory_space<semaphore_mem>>
        %dma_start3A_61 = tpu.memref_squeeze %dma_start3A_60 : memref<1x!tpu.dma_semaphore, #tpu.memory_space<semaphore_mem>> -> memref<!tpu.dma_semaphore, #tpu.memory_space<semaphore_mem>>
        tpu.enqueue_indirect_dma source(%dma_start3A_59 : memref<10000x64xf32, #tpu.memory_space<hbm>>) target(%dma_start3A_49 : memref<64x64xf32, #tpu.memory_space<vmem>>) offsets(%dma_start3A_52 : memref<64xi32, #tpu.memory_space<vmem>>) semaphore(%dma_start3A_61 : memref<!tpu.dma_semaphore, #tpu.memory_space<semaphore_mem>>)
      } else {
      }
      %ge3A_39 = arith.constant 4 : i32
      %ge3A_40 = arith.cmpi sge, %scan3A_30, %ge3A_39 : i32
      %lt3A_41 = arith.constant 324 : i32
      %lt3A_42 = arith.cmpi slt, %scan3A_30, %lt3A_41 : i32
      %and3A = arith.andi %ge3A_40, %lt3A_42 : i1
      %convert_element_type3A_43 = arith.extui %and3A : i1 to i32
      %cond3A_44 = arith.constant 0 : i32
      %cond3A_45 = arith.cmpi ne, %convert_element_type3A_43, %cond3A_44 : i32
      scf.if %cond3A_45 {
        %sub3A = arith.constant 4 : i32
        %sub3A_47 = arith.subi %scan3A_30, %sub3A : i32
        %rem3A_48 = arith.constant 8 : i32
        %rem3A_49 = arith.remsi %sub3A_47, %rem3A_48 : i32
        %dma_wait3A = arith.constant 0 : i32
        %dma_wait3A_50 = arith.constant 0 : i32
        %dma_wait3A_51 = tpu.memref_slice %arg8[%rem3A_49, %dma_wait3A, %dma_wait3A_50] : memref<8x64x64xf32, #tpu.memory_space<vmem>> -> memref<1x64x64xf32, #tpu.memory_space<vmem>>
        %dma_wait3A_52 = tpu.memref_squeeze %dma_wait3A_51 : memref<1x64x64xf32, #tpu.memory_space<vmem>> -> memref<64x64xf32, #tpu.memory_space<vmem>>
        %dma_wait3A_53 = arith.constant 0 : i32
        %dma_wait3A_54 = arith.constant 0 : i32
        %dma_wait3A_55 = tpu.memref_slice %arg2[%arg0, %dma_wait3A_53, %dma_wait3A_54] : memref<2x10000x64xf32, #tpu.memory_space<hbm>> -> memref<1x10000x64xf32, #tpu.memory_space<hbm>>
        %dma_wait3A_56 = tpu.memref_squeeze %dma_wait3A_55 : memref<1x10000x64xf32, #tpu.memory_space<hbm>> -> memref<10000x64xf32, #tpu.memory_space<hbm>>
        %dma_wait3A_57 = arith.constant 0 : i32
        %dma_wait3A_58 = arith.constant 0 : i32
        %dma_wait3A_59 = tpu.memref_slice %dma_wait3A_56[%dma_wait3A_57, %dma_wait3A_58] : memref<10000x64xf32, #tpu.memory_space<hbm>> -> memref<64x64xf32, #tpu.memory_space<hbm>>
        %dma_wait3A_60 = tpu.memref_slice %arg11[%rem3A_49] : memref<8x!tpu.dma_semaphore, #tpu.memory_space<semaphore_mem>> -> memref<1x!tpu.dma_semaphore, #tpu.memory_space<semaphore_mem>>
        %dma_wait3A_61 = tpu.memref_squeeze %dma_wait3A_60 : memref<1x!tpu.dma_semaphore, #tpu.memory_space<semaphore_mem>> -> memref<!tpu.dma_semaphore, #tpu.memory_space<semaphore_mem>>
        %dma_wait3A_62 = arith.constant 0 : i32
        %dma_wait3A_63 = arith.constant 0 : i32
        %dma_wait3A_64 = tpu.memref_slice %arg8[%rem3A_49, %dma_wait3A_62, %dma_wait3A_63] : memref<8x64x64xf32, #tpu.memory_space<vmem>> -> memref<1x64x64xf32, #tpu.memory_space<vmem>>
        %dma_wait3A_65 = tpu.memref_squeeze %dma_wait3A_64 : memref<1x64x64xf32, #tpu.memory_space<vmem>> -> memref<64x64xf32, #tpu.memory_space<vmem>>
        %dma_wait3A_66 = arith.constant 0 : i32
        %dma_wait3A_67 = arith.constant 0 : i32
        %dma_wait3A_68 = tpu.memref_slice %arg2[%arg0, %dma_wait3A_66, %dma_wait3A_67] : memref<2x10000x64xf32, #tpu.memory_space<hbm>> -> memref<1x10000x64xf32, #tpu.memory_space<hbm>>
        %dma_wait3A_69 = tpu.memref_squeeze %dma_wait3A_68 : memref<1x10000x64xf32, #tpu.memory_space<hbm>> -> memref<10000x64xf32, #tpu.memory_space<hbm>>
        %dma_wait3A_70 = arith.constant 0 : i32
        %dma_wait3A_71 = arith.constant 0 : i32
        %dma_wait3A_72 = tpu.memref_slice %dma_wait3A_69[%dma_wait3A_70, %dma_wait3A_71] : memref<10000x64xf32, #tpu.memory_space<hbm>> -> memref<64x64xf32, #tpu.memory_space<hbm>>
        tpu.wait_dma2 semaphore(%dma_wait3A_61 : memref<!tpu.dma_semaphore, #tpu.memory_space<semaphore_mem>>) src(%dma_wait3A_72 : memref<64x64xf32, #tpu.memory_space<hbm>>) dst(%dma_wait3A_65 : memref<64x64xf32, #tpu.memory_space<vmem>>)
        %dma_start3A = arith.constant 0 : i32
        %dma_start3A_73 = arith.constant 0 : i32
        %dma_start3A_74 = tpu.memref_slice %arg8[%rem3A_49, %dma_start3A, %dma_start3A_73] : memref<8x64x64xf32, #tpu.memory_space<vmem>> -> memref<1x64x64xf32, #tpu.memory_space<vmem>>
        %dma_start3A_75 = tpu.memref_squeeze %dma_start3A_74 : memref<1x64x64xf32, #tpu.memory_space<vmem>> -> memref<64x64xf32, #tpu.memory_space<vmem>>
        %dma_start3A_76 = arith.constant 0 : i32
        %dma_start3A_77 = tpu.memref_slice %arg7[%sub3A_47, %dma_start3A_76] : memref<320x64xi32, #tpu.memory_space<vmem>> -> memref<1x64xi32, #tpu.memory_space<vmem>>
        %dma_start3A_78 = tpu.memref_squeeze %dma_start3A_77 : memref<1x64xi32, #tpu.memory_space<vmem>> -> memref<64xi32, #tpu.memory_space<vmem>>
        %dma_start3A_79 = arith.constant 0 : i32
        %dma_start3A_80 = arith.constant 0 : i32
        %dma_start3A_81 = tpu.memref_slice %arg10[%dma_start3A_79, %dma_start3A_80] : memref<10240x64xf32, #tpu.memory_space<vmem_shared>> -> memref<10240x64xf32, #tpu.memory_space<vmem_shared>>
        %dma_start3A_82 = tpu.memref_slice %arg12[%rem3A_49] : memref<8x!tpu.dma_semaphore, #tpu.memory_space<semaphore_mem>> -> memref<1x!tpu.dma_semaphore, #tpu.memory_space<semaphore_mem>>
        %dma_start3A_83 = tpu.memref_squeeze %dma_start3A_82 : memref<1x!tpu.dma_semaphore, #tpu.memory_space<semaphore_mem>> -> memref<!tpu.dma_semaphore, #tpu.memory_space<semaphore_mem>>
        tpu.enqueue_indirect_dma source(%dma_start3A_75 : memref<64x64xf32, #tpu.memory_space<vmem>>) target(%dma_start3A_81 : memref<10240x64xf32, #tpu.memory_space<vmem_shared>>) offsets(%dma_start3A_78 : memref<64xi32, #tpu.memory_space<vmem>>) semaphore(%dma_start3A_83 : memref<!tpu.dma_semaphore, #tpu.memory_space<semaphore_mem>>) {add = true}
      } else {
      }
      %scan3A_46 = arith.constant 0 : i32
      scf.yield %scan3A_46 : i32
    }
    %scan3A_21 = arith.constant 328 : i32
    %barrier3A_22 = arith.constant 0 : index
    tpu.barrier barrier_id(%barrier3A_22)
    %scan3A_23 = arith.constant 0 : i32
    %scan3A_24 = arith.constant 0 : i32
    %scan3A_25 = arith.constant 5 : i32
    %scan3A_26 = arith.addi %scan3A_24, %scan3A_25 : i32
    %scan3A_27 = arith.constant 1 : i32
    %scan3A_28 = scf.for %scan3A_30 = %scan3A_24 to %scan3A_26 step %scan3A_27 iter_args(%scan3A_31 = %scan3A_23) -> (i32)  : i32 {
      %mul3A_32 = arith.constant 128 : i32
      %mul3A_33 = arith.muli %scan3A_30, %mul3A_32 : i32
      %add3A = arith.addi %mul3A_7, %mul3A_33 : i32
      "tpu.region"() ({
        %run_scoped3A = tpu.sem_alloc : memref<!tpu.dma_semaphore, #tpu.memory_space<semaphore_mem>>
        %dma_start3A = arith.constant 0 : i32
        %dma_start3A_35 = tpu.memref_slice %arg10[%add3A, %dma_start3A] : memref<10240x64xf32, #tpu.memory_space<vmem_shared>> -> memref<128x64xf32, #tpu.memory_space<vmem_shared>>
        %dma_start3A_36 = arith.constant 0 : i32
        %dma_start3A_37 = tpu.memref_slice %arg10[%add3A, %dma_start3A_36] : memref<10240x64xf32, #tpu.memory_space<vmem_shared>> -> memref<128x64xf32, #tpu.memory_space<vmem_shared>>
        tpu.enqueue_dma source(%dma_start3A_37 : memref<128x64xf32, #tpu.memory_space<vmem_shared>>) target(%arg9 : memref<128x64xf32, #tpu.memory_space<vmem>>) target_semaphore(%run_scoped3A : memref<!tpu.dma_semaphore, #tpu.memory_space<semaphore_mem>>)
        %dma_wait3A = arith.constant 0 : i32
        %dma_wait3A_38 = tpu.memref_slice %arg10[%add3A, %dma_wait3A] : memref<10240x64xf32, #tpu.memory_space<vmem_shared>> -> memref<128x64xf32, #tpu.memory_space<vmem_shared>>
        %dma_wait3A_39 = arith.constant 0 : i32
        %dma_wait3A_40 = tpu.memref_slice %arg10[%add3A, %dma_wait3A_39] : memref<10240x64xf32, #tpu.memory_space<vmem_shared>> -> memref<128x64xf32, #tpu.memory_space<vmem_shared>>
        tpu.wait_dma2 semaphore(%run_scoped3A : memref<!tpu.dma_semaphore, #tpu.memory_space<semaphore_mem>>) src(%dma_wait3A_40 : memref<128x64xf32, #tpu.memory_space<vmem_shared>>) dst(%arg9 : memref<128x64xf32, #tpu.memory_space<vmem>>)
        tpu.yield
      }) : () -> ()
      "tpu.region"() ({
        %run_scoped3A = tpu.sem_alloc : memref<!tpu.dma_semaphore, #tpu.memory_space<semaphore_mem>>
        %dma_start3A = arith.constant 0 : i32
        %dma_start3A_35 = tpu.memref_slice %arg5[%arg0, %add3A, %dma_start3A] : memref<2x10240x64xf32, #tpu.memory_space<hbm>> -> memref<1x128x64xf32, #tpu.memory_space<hbm>>
        %dma_start3A_36 = tpu.memref_squeeze %dma_start3A_35 : memref<1x128x64xf32, #tpu.memory_space<hbm>> -> memref<128x64xf32, #tpu.memory_space<hbm>>
        %dma_start3A_37 = arith.constant 0 : i32
        %dma_start3A_38 = tpu.memref_slice %arg5[%arg0, %add3A, %dma_start3A_37] : memref<2x10240x64xf32, #tpu.memory_space<hbm>> -> memref<1x128x64xf32, #tpu.memory_space<hbm>>
        %dma_start3A_39 = tpu.memref_squeeze %dma_start3A_38 : memref<1x128x64xf32, #tpu.memory_space<hbm>> -> memref<128x64xf32, #tpu.memory_space<hbm>>
        tpu.enqueue_dma source(%arg9 : memref<128x64xf32, #tpu.memory_space<vmem>>) target(%dma_start3A_39 : memref<128x64xf32, #tpu.memory_space<hbm>>) target_semaphore(%run_scoped3A : memref<!tpu.dma_semaphore, #tpu.memory_space<semaphore_mem>>)
        %dma_wait3A = arith.constant 0 : i32
        %dma_wait3A_40 = tpu.memref_slice %arg5[%arg0, %add3A, %dma_wait3A] : memref<2x10240x64xf32, #tpu.memory_space<hbm>> -> memref<1x128x64xf32, #tpu.memory_space<hbm>>
        %dma_wait3A_41 = tpu.memref_squeeze %dma_wait3A_40 : memref<1x128x64xf32, #tpu.memory_space<hbm>> -> memref<128x64xf32, #tpu.memory_space<hbm>>
        %dma_wait3A_42 = arith.constant 0 : i32
        %dma_wait3A_43 = tpu.memref_slice %arg5[%arg0, %add3A, %dma_wait3A_42] : memref<2x10240x64xf32, #tpu.memory_space<hbm>> -> memref<1x128x64xf32, #tpu.memory_space<hbm>>
        %dma_wait3A_44 = tpu.memref_squeeze %dma_wait3A_43 : memref<1x128x64xf32, #tpu.memory_space<hbm>> -> memref<128x64xf32, #tpu.memory_space<hbm>>
        tpu.wait_dma2 semaphore(%run_scoped3A : memref<!tpu.dma_semaphore, #tpu.memory_space<semaphore_mem>>) src(%arg9 : memref<128x64xf32, #tpu.memory_space<vmem>>) dst(%dma_wait3A_44 : memref<128x64xf32, #tpu.memory_space<hbm>>)
        tpu.yield
      }) : () -> ()
      %scan3A_34 = arith.constant 0 : i32
      scf.yield %scan3A_34 : i32
    }
    %scan3A_29 = arith.constant 5 : i32
    return
  }
}

module attributes {stable_mosaic.version = 14 : i64} {
  func.func @_mm_body(%arg0: i32, %arg1: memref<2048x128xf32, #tpu.memory_space<vmem>>, %arg2: memref<128x128xf32, #tpu.memory_space<vmem>>, %arg3: memref<32x2048xf32, #tpu.memory_space<vmem>>, %arg4: memref<2x2048x64xf32, #tpu.memory_space<vmem>>) attributes {dimension_semantics = [#tpu.dimension_semantics<arbitrary>], iteration_bounds = array<i64: 5>, scalar_prefetch = 0 : i64, scratch_operands = 0 : i64, tpu.core_type = #tpu.core_type<tc>, window_params = [{transform_indices = @transform_0, window_bounds = array<i64: 2048, 128>}, {pipeline_mode = #tpu.pipeline_mode<synchronous>, transform_indices = @transform_1, window_bounds = array<i64: 128, 128>}, {transform_indices = @transform_2, window_bounds = array<i64: 32, 2048>}, {transform_indices = @transform_3, window_bounds = array<i64: 2, 2048, 64>}]} {
    %get3A = arith.constant 0 : index
    %get3A_0 = arith.constant 0 : index
    %get3A_1 = vector.load %arg3[%get3A, %get3A_0] : memref<32x2048xf32, #tpu.memory_space<vmem>>, vector<32x2048xf32>
    %reduce_sum3A = arith.constant dense<0.000000e+00> : vector<2048xf32>
    %reduce_sum3A_2 = vector.multi_reduction <add>, %get3A_1, %reduce_sum3A [0] : vector<32x2048xf32> to vector<2048xf32>
    %add3A = arith.constant 1.000000e+00 : f32
    %add3A_3 = vector.broadcast %add3A : f32 to vector<2048xf32>
    %add3A_4 = arith.addf %reduce_sum3A_2, %add3A_3 : vector<2048xf32>
    %rsqrt3A = math.rsqrt %add3A_4 : vector<2048xf32>
    %get3A_5 = arith.constant 0 : index
    %get3A_6 = arith.constant 0 : index
    %get3A_7 = vector.load %arg1[%get3A_5, %get3A_6] : memref<2048x128xf32, #tpu.memory_space<vmem>>, vector<2048x128xf32>
    %get3A_8 = arith.constant 0 : index
    %get3A_9 = arith.constant 0 : index
    %get3A_10 = vector.load %arg2[%get3A_8, %get3A_9] : memref<128x128xf32, #tpu.memory_space<vmem>>, vector<128x128xf32>
    %dot_general3A = arith.constant dense<0.000000e+00> : vector<2048x128xf32>
    %dot_general3A_11 = tpu.matmul %get3A_7, %get3A_10, %dot_general3A {dimension_numbers = #tpu.dot_dimension_numbers<[1], [0], [0], [1], [0, 0, 1, 1], [], []>, transpose_lhs_hint = false} : vector<2048x128xf32>, vector<128x128xf32>, vector<2048x128xf32> -> vector<2048x128xf32>
    %broadcast_in_dim3A = vector.shape_cast %rsqrt3A : vector<2048xf32> to vector<2048x1xf32>
    %mul3A = vector.broadcast %broadcast_in_dim3A : vector<2048x1xf32> to vector<2048x128xf32>
    %mul3A_12 = arith.mulf %dot_general3A_11, %mul3A : vector<2048x128xf32>
    %slice3A = vector.extract_strided_slice %mul3A_12 {offsets = [0, 0], sizes = [2048, 64], strides = [1, 1]} : vector<2048x128xf32> to vector<2048x64xf32>
    %swap3A = arith.constant 0 : index
    %swap3A_13 = arith.constant 0 : index
    %swap3A_14 = arith.constant 0 : index
    %swap3A_15 = vector.load %arg4[%swap3A, %swap3A_13, %swap3A_14] : memref<2x2048x64xf32, #tpu.memory_space<vmem>>, vector<1x2048x64xf32>
    %swap3A_16 = vector.shape_cast %swap3A_15 : vector<1x2048x64xf32> to vector<2048x64xf32>
    %swap3A_17 = vector.shape_cast %slice3A : vector<2048x64xf32> to vector<1x2048x64xf32>
    tpu.vector_store %arg4[%swap3A, %swap3A_13, %swap3A_14], %swap3A_17 {strides = array<i32>} : memref<2x2048x64xf32, #tpu.memory_space<vmem>>, vector<1x2048x64xf32>,
    %slice3A_18 = vector.extract_strided_slice %mul3A_12 {offsets = [0, 64], sizes = [2048, 64], strides = [1, 1]} : vector<2048x128xf32> to vector<2048x64xf32>
    %swap3A_19 = arith.constant 1 : index
    %swap3A_20 = arith.constant 0 : index
    %swap3A_21 = arith.constant 0 : index
    %swap3A_22 = vector.load %arg4[%swap3A_19, %swap3A_20, %swap3A_21] : memref<2x2048x64xf32, #tpu.memory_space<vmem>>, vector<1x2048x64xf32>
    %swap3A_23 = vector.shape_cast %swap3A_22 : vector<1x2048x64xf32> to vector<2048x64xf32>
    %swap3A_24 = vector.shape_cast %slice3A_18 : vector<2048x64xf32> to vector<1x2048x64xf32>
    tpu.vector_store %arg4[%swap3A_19, %swap3A_20, %swap3A_21], %swap3A_24 {strides = array<i32>} : memref<2x2048x64xf32, #tpu.memory_space<vmem>>, vector<1x2048x64xf32>,
    return
  }
  func.func @transform_0(%arg0: i32) -> (i32, i32) {
    %c0_i32 = arith.constant 0 : i32
    %c0_i32_0 = arith.constant 0 : i32
    return %arg0, %c0_i32 : i32, i32
  }
  func.func @transform_1(%arg0: i32) -> (i32, i32) {
    %c0_i32 = arith.constant 0 : i32
    %c0_i32_0 = arith.constant 0 : i32
    %c0_i32_1 = arith.constant 0 : i32
    return %c0_i32, %c0_i32_0 : i32, i32
  }
  func.func @transform_2(%arg0: i32) -> (i32, i32) {
    %c0_i32 = arith.constant 0 : i32
    %c0_i32_0 = arith.constant 0 : i32
    return %c0_i32, %arg0 : i32, i32
  }
  func.func @transform_3(%arg0: i32) -> (i32, i32, i32) {
    %c0_i32 = arith.constant 0 : i32
    %c0_i32_0 = arith.constant 0 : i32
    %c0_i32_1 = arith.constant 0 : i32
    return %c0_i32, %arg0, %c0_i32_0 : i32, i32, i32
  }
}

module attributes {stable_mosaic.version = 14 : i64} {
  func.func @_fin_body(%arg0: i32, %arg1: memref<2x2048x64xf32, #tpu.memory_space<vmem>>, %arg2: memref<2x2048x64xf32, #tpu.memory_space<vmem>>, %arg3: memref<32x2048xf32, #tpu.memory_space<vmem>>, %arg4: memref<1x128xf32, #tpu.memory_space<vmem>>, %arg5: memref<2048x128xf32, #tpu.memory_space<vmem>>) attributes {dimension_semantics = [#tpu.dimension_semantics<arbitrary>], iteration_bounds = array<i64: 5>, scalar_prefetch = 0 : i64, scratch_operands = 0 : i64, tpu.core_type = #tpu.core_type<tc>, window_params = [{transform_indices = @transform_0, window_bounds = array<i64: 2, 2048, 64>}, {transform_indices = @transform_1, window_bounds = array<i64: 2, 2048, 64>}, {transform_indices = @transform_2, window_bounds = array<i64: 32, 2048>}, {pipeline_mode = #tpu.pipeline_mode<synchronous>, transform_indices = @transform_3, window_bounds = array<i64: 1, 128>}, {transform_indices = @transform_4, window_bounds = array<i64: 2048, 128>}]} {
    %get3A = arith.constant 0 : index
    %get3A_0 = arith.constant 0 : index
    %get3A_1 = vector.load %arg3[%get3A, %get3A_0] : memref<32x2048xf32, #tpu.memory_space<vmem>>, vector<32x2048xf32>
    %reduce_sum3A = arith.constant dense<0.000000e+00> : vector<2048xf32>
    %reduce_sum3A_2 = vector.multi_reduction <add>, %get3A_1, %reduce_sum3A [0] : vector<32x2048xf32> to vector<2048xf32>
    %add3A = arith.constant 1.000000e+00 : f32
    %add3A_3 = vector.broadcast %add3A : f32 to vector<2048xf32>
    %add3A_4 = arith.addf %reduce_sum3A_2, %add3A_3 : vector<2048xf32>
    %rsqrt3A = math.rsqrt %add3A_4 : vector<2048xf32>
    %get3A_5 = arith.constant 0 : index
    %get3A_6 = arith.constant 0 : index
    %get3A_7 = arith.constant 0 : index
    %get3A_8 = vector.load %arg1[%get3A_5, %get3A_6, %get3A_7] : memref<2x2048x64xf32, #tpu.memory_space<vmem>>, vector<1x2048x64xf32>
    %get3A_9 = vector.shape_cast %get3A_8 : vector<1x2048x64xf32> to vector<2048x64xf32>
    %get3A_10 = arith.constant 0 : index
    %get3A_11 = arith.constant 0 : index
    %get3A_12 = arith.constant 0 : index
    %get3A_13 = vector.load %arg2[%get3A_10, %get3A_11, %get3A_12] : memref<2x2048x64xf32, #tpu.memory_space<vmem>>, vector<1x2048x64xf32>
    %get3A_14 = vector.shape_cast %get3A_13 : vector<1x2048x64xf32> to vector<2048x64xf32>
    %add3A_15 = arith.addf %get3A_9, %get3A_14 : vector<2048x64xf32>
    %get3A_16 = arith.constant 1 : index
    %get3A_17 = arith.constant 0 : index
    %get3A_18 = arith.constant 0 : index
    %get3A_19 = vector.load %arg1[%get3A_16, %get3A_17, %get3A_18] : memref<2x2048x64xf32, #tpu.memory_space<vmem>>, vector<1x2048x64xf32>
    %get3A_20 = vector.shape_cast %get3A_19 : vector<1x2048x64xf32> to vector<2048x64xf32>
    %get3A_21 = arith.constant 1 : index
    %get3A_22 = arith.constant 0 : index
    %get3A_23 = arith.constant 0 : index
    %get3A_24 = vector.load %arg2[%get3A_21, %get3A_22, %get3A_23] : memref<2x2048x64xf32, #tpu.memory_space<vmem>>, vector<1x2048x64xf32>
    %get3A_25 = vector.shape_cast %get3A_24 : vector<1x2048x64xf32> to vector<2048x64xf32>
    %add3A_26 = arith.addf %get3A_20, %get3A_25 : vector<2048x64xf32>
    %concatenate3A = tpu.concatenate %add3A_15, %add3A_26 in 1 : vector<2048x64xf32>, vector<2048x64xf32> -> vector<2048x128xf32>
    %broadcast_in_dim3A = vector.shape_cast %rsqrt3A : vector<2048xf32> to vector<2048x1xf32>
    %mul3A = vector.broadcast %broadcast_in_dim3A : vector<2048x1xf32> to vector<2048x128xf32>
    %mul3A_27 = arith.mulf %concatenate3A, %mul3A : vector<2048x128xf32>
    %get3A_28 = arith.constant 0 : index
    %get3A_29 = arith.constant 0 : index
    %get3A_30 = vector.load %arg4[%get3A_28, %get3A_29] : memref<1x128xf32, #tpu.memory_space<vmem>>, vector<1x128xf32>
    %add3A_31 = vector.broadcast %get3A_30 : vector<1x128xf32> to vector<2048x128xf32>
    %add3A_32 = arith.addf %mul3A_27, %add3A_31 : vector<2048x128xf32>
    %max3A = arith.constant 0.000000e+00 : f32
    %max3A_33 = vector.broadcast %max3A : f32 to vector<2048x128xf32>
    %max3A_34 = arith.maximumf %add3A_32, %max3A_33 : vector<2048x128xf32>
    %swap3A = arith.constant 0 : index
    %swap3A_35 = arith.constant 0 : index
    %swap3A_36 = vector.load %arg5[%swap3A, %swap3A_35] : memref<2048x128xf32, #tpu.memory_space<vmem>>, vector<2048x128xf32>
    tpu.vector_store %arg5[%swap3A, %swap3A_35], %max3A_34 {strides = array<i32>} : memref<2048x128xf32, #tpu.memory_space<vmem>>, vector<2048x128xf32>,
    return
  }
  func.func @transform_0(%arg0: i32) -> (i32, i32, i32) {
    %c0_i32 = arith.constant 0 : i32
    %c0_i32_0 = arith.constant 0 : i32
    %c0_i32_1 = arith.constant 0 : i32
    return %c0_i32, %arg0, %c0_i32_0 : i32, i32, i32
  }
  func.func @transform_1(%arg0: i32) -> (i32, i32, i32) {
    %c0_i32 = arith.constant 0 : i32
    %c0_i32_0 = arith.constant 0 : i32
    %c0_i32_1 = arith.constant 0 : i32
    return %c0_i32, %arg0, %c0_i32_0 : i32, i32, i32
  }
  func.func @transform_2(%arg0: i32) -> (i32, i32) {
    %c0_i32 = arith.constant 0 : i32
    %c0_i32_0 = arith.constant 0 : i32
    return %c0_i32, %arg0 : i32, i32
  }
  func.func @transform_3(%arg0: i32) -> (i32, i32) {
    %c0_i32 = arith.constant 0 : i32
    %c0_i32_0 = arith.constant 0 : i32
    %c0_i32_1 = arith.constant 0 : i32
    return %c0_i32, %c0_i32_0 : i32, i32
  }
  func.func @transform_4(%arg0: i32) -> (i32, i32) {
    %c0_i32 = arith.constant 0 : i32
    %c0_i32_0 = arith.constant 0 : i32
    return %arg0, %c0_i32 : i32, i32
  }
}

</mosaic_0001>

<sc_bundles>
// kernel: kernel.6.cloned.1.call-start
scs
__scs_entry_jumppad:
0x0: {  	(pc) =	sbr.rel $0x88, $3  }
0x1: {  	(tag) =	ssettag $0x0;
	lr =	simm.s32 $0x1  }
0x2: {  	[smem:$0x3F9D] =	sst lr;
	_ =	strace $0xD0000000  }
0x3: {  	_ = 	snop  }
0x4: {  	_ = 	snop  }
0x5: {  	_ = 	snop  }
0x6: {  	_ = 	snop  }
0x7: {  	_ = 	snop  }
__scs_overlays_trampoline_lowered:
0x8: {  	[smem:$0x3FAC] =	sst s0  }
0x9: {  	[smem:$0x3FAD] =	sst s1  }
0xa: {  	[smem:$0x3FAE] =	sst s2  }
0xb: {  	[smem:$0x3FAF] =	sst s3  }
0xc: {  	[smem:$0x3FB0] =	sst s4  }
0xd: {  	[smem:$0x3FB1] =	sst s5  }
0xe: {  	[smem:$0x3FB2] =	sst s6  }
0xf: {  	[smem:$0x3FB3] =	sst s7  }
0x10: {  	[smem:$0x3FB4] =	sst s8  }
0x11: {  	[smem:$0x3FB5] =	sst s9;
	s0 =	simm.s32 @!p0 $0x0  }
0x12: {  	s1 =	sld [smem:$0x3F9B];
	s0 =	simm.s32 @p0 $0x1  }
0x13: {  	[smem:$0x3FB6] =	sst s0;
	s0 =	simm.s32 @!p1 $0x0  }
0x14: {  	s2 =	sld [smem:$0x3F9A];
	s0 =	simm.s32 @p1 $0x1  }
0x15: {  	[smem:$0x3FB7] =	sst s0;
	s0 =	simm.s32 @!p2 $0x0  }
0x16: {  	s3 =	sld [smem:$0x3FDB];
	s0 =	simm.s32 @p2 $0x1  }
0x17: {  	s4 =	simm.s32 $0x1BF5;
	[smem:$0x3FB9] =	sst s0  }
0x18: {  	s0 =	sld [smem:$0x3F9C];
	_ =	swait.ge [sflag:s4], $0x0  }
0x19: {  	s7 =	sld [smem:$0x3F9D]  }
0x1a: {  	s8 =	sadd.s32 $0xFFFFE003, lr  }
0x1b: {  	s9 =	sadd.s32 $0xFFFFFEF7, lr;
	s5 =	simm.s32 $0xFFFFFFFF;
	p2 =	slt.u32 s8, $0xFFFFF086  }
0x1c: {  	p1 =	slt.u32 s9, $0xF7A;
	s5 =	simm.s32 @!p2 $0x0  }
0x1d: {  	s5 =	simm.s32 @p1 $0x1;
	p0 =	seq.s32 s7, s2  }
0x1e: {  	s7 =	smul.u32 @!p0 $0xF7A, s2;
	p2 =	seq.s32 @!p0 s5, $0x0  }
0x1f: {  	s9 =	smul.u32 $0xF7A, s1;
	s8 =	simm.s32 @!p0 $0x1BF5;
	p2 =	por !p2, p0  }
0x20: {  	[sflag:s8] =	ssyncset.s32 @!p0 $0xFFFFF086;
	s6 =	sadd.s32 @!p0 s3, s7;
	s7 =	simm.s32 @!p0 $0x108  }
0x21: {  	s3 =	sadd.s32 s3, s9;
	s6 =	sadd.s32 @!p0 $0x88, s6;
	s7 =	simm.s32 @p2 $0x1082  }
0x22: {  	[simem:s7], [sflag:s8] =	dma.local @!p0 [hbm:s6], $0xF7A  }
0x23: {  	s9 =	sor.u32 $0xD0000000, s2;
	s6 =	simm.s32 $0x108;
	_ =	swait.ge @!p0 [sflag:s8], $0x0  }
0x24: {  	s3 =	sadd.s32 $0x88, s3;
	s6 =	simm.s32 @!p1 $0x1082;
	[sflag:s4] =	ssyncset.s32 $0xFFFFF086  }
0x25: {  	[simem:s6], [sflag:s4] =	dma.local [hbm:s3], $0xF7A  }
0x26: {  	[smem:$0x3F9D] =	sst s1;
	(tag) =	ssettag s2;
	_ =	strace s9  }
0x27: {  	s1 =	sld [smem:$0x3FAD]  }
0x28: {  	s2 =	sld [smem:$0x3FAE]  }
0x29: {  	s4 =	sld [smem:$0x3FB0]  }
0x2a: {  	p0 =	seq.s32 s5, $0x0;
	s5 =	sld [smem:$0x3FB1]  }
0x2b: {  	s6 =	sld [smem:$0x3FB2]  }
0x2c: {  	s7 =	sld [smem:$0x3FB3]  }
0x2d: {  	s3 =	simm.s32 $0x108;
	s8 =	sld [smem:$0x3FB4]  }
0x2e: {  	s3 =	simm.s32 @!p0 $0x1082;
	s9 =	sld [smem:$0x3FB5]  }
0x2f: {  	lr =	sadd.s32 s0, s3;
	s0 =	sld [smem:$0x3FAC]  }
0x30: {  	s3 =	sld [smem:$0x3FAF]  }
0x31: {  	[smem:$0x3FB8] =	sst s10  }
0x32: {  	s10 =	sld [smem:$0x3FB6];
	_ =	sdelay $0x3  }
0x33: {  	p0 =	seq.s32 s10, $0x1;
	s10 =	sld [smem:$0x3FB8];
	_ =	sdelay $0x3  }
0x34: {  	[smem:$0x3FB8] =	sst s10  }
0x35: {  	s10 =	sld [smem:$0x3FB7];
	_ =	sdelay $0x3  }
0x36: {  	p1 =	seq.s32 s10, $0x1;
	s10 =	sld [smem:$0x3FB8];
	_ =	sdelay $0x3  }
0x37: {  	[smem:$0x3FB8] =	sst s10  }
0x38: {  	s10 =	sld [smem:$0x3FB9]  }
0x39: {  	_ = 	snop;
	(pc) =	sbr.ind lr, $3  }
0x3a: {  	_ = 	snop  }
0x3b: {  	_ = 	snop  }
0x3c: {  	p2 =	seq.s32 s10, $0x1;
	s10 =	sld [smem:$0x3FB8]  }
0x3d: {  	_ =	shalt  }
0x3e: {  	_ =	shalt  }
0x3f: {  	_ =	shalt  }
0x40: {  	_ =	shalt  }
0x41: {  	_ =	shalt  }
0x42: {  	_ =	shalt  }
0x43: {  	_ =	shalt  }
0x44: {  	_ =	shalt  }
0x45: {  	_ =	shalt  }
0x46: {  	_ =	shalt  }
0x47: {  	_ =	shalt  }
0x48: {  	_ =	shalt  }
0x49: {  	_ =	shalt  }
0x4a: {  	_ =	shalt  }
0x4b: {  	_ =	shalt  }
0x4c: {  	_ =	shalt  }
0x4d: {  	_ =	shalt  }
0x4e: {  	_ =	shalt  }
0x4f: {  	_ =	shalt  }
0x50: {  	_ =	shalt  }
0x51: {  	_ =	shalt  }
0x52: {  	_ =	shalt  }
0x53: {  	_ =	shalt  }
0x54: {  	_ =	shalt  }
0x55: {  	_ =	shalt  }
0x56: {  	_ =	shalt  }
0x57: {  	_ =	shalt  }
0x58: {  	_ =	shalt  }
0x59: {  	_ =	shalt  }
0x5a: {  	_ =	shalt  }
0x5b: {  	_ =	shalt  }
0x5c: {  	_ =	shalt  }
0x5d: {  	_ =	shalt  }
0x5e: {  	_ =	shalt  }
0x5f: {  	_ =	shalt  }
0x60: {  	_ =	shalt  }
0x61: {  	_ =	shalt  }
0x62: {  	_ =	shalt  }
0x63: {  	_ =	shalt  }
0x64: {  	_ =	shalt  }
0x65: {  	_ =	shalt  }
0x66: {  	_ =	shalt  }
0x67: {  	_ =	shalt  }
0x68: {  	_ =	shalt  }
0x69: {  	_ =	shalt  }
0x6a: {  	_ =	shalt  }
0x6b: {  	_ =	shalt  }
0x6c: {  	_ =	shalt  }
0x6d: {  	_ =	shalt  }
0x6e: {  	_ =	shalt  }
0x6f: {  	_ =	shalt  }
0x70: {  	_ =	shalt  }
0x71: {  	_ =	shalt  }
0x72: {  	_ =	shalt  }
0x73: {  	_ =	shalt  }
0x74: {  	_ =	shalt  }
0x75: {  	_ =	shalt  }
0x76: {  	_ =	shalt  }
0x77: {  	_ =	shalt  }
0x78: {  	_ =	shalt  }
0x79: {  	_ =	shalt  }
0x7a: {  	_ =	shalt  }
0x7b: {  	_ =	shalt  }
0x7c: {  	_ =	shalt  }
0x7d: {  	_ =	shalt  }
0x7e: {  	_ =	shalt  }
0x7f: {  	_ =	shalt  }
0x80: {  	_ =	shalt  }
0x81: {  	_ =	shalt  }
0x82: {  	_ =	shalt  }
0x83: {  	_ =	shalt  }
0x84: {  	_ =	shalt  }
0x85: {  	_ =	shalt  }
0x86: {  	_ =	shalt  }
0x87: {  	_ =	shalt  }
.Lfunc_end0:
.L_simem_size_0:
called_computation_lowered:
.L_overlay_start_0:
0x88: {  	s2 =	sld [smem:$0x3FD9]  }
0x89: {  	s3 =	sld [smem:$0x3FFE];
	_ =	sdelay $0x1  }
0x8a: {  	s1 =	srdreg.scid  }
0x8b: {  	s0 =	sand.u32 $0x1, s1  }
0x8c: {  	s17 =	sshll.u32 s0, $0xA;
	s2 =	sadd.s32 s3, s2  }
0x8d: {  	s2 =	sadd.s32 s2, s17  }
0x8e: {  	[smem:$0x3FC4] =	sst s2  }
0x8f: {  	_ = 	snop  }
0x90: {  	s2 =	sld [smem:$0x3FD0];
	(tm) =	ssettm $0x1  }
0x91: {  	s18 =	sld [smem:$0x3FFB];
	_ =	sdelay $0x3  }
0x92: {  	_ =	strace s18  }
0x93: {  	s3 =	sld [smem:$0x3FFC];
	_ =	sdelay $0x3  }
0x94: {  	_ =	strace s3  }
0x95: {  	s3 =	sld [smem:$0x3FFD];
	_ =	sdelay $0x3  }
0x96: {  	_ =	strace s3  }
0x97: {  	_ =	strace $0x8FFFFFFF  }
0x98: {  	s19 =	sld [smem:$0x3FDB];
	_ =	sdelay $0x1  }
0x99: {  	s4 =	simm.s32 $_scs_section_size  }
0x9a: {  	s5 =	simm.s32 $_size__tile_overlayer_lowered;
	s6 =	simm.s32 $_tile_overlayer_lowered  }
0x9b: {  	s22 =	simm.s32 $0x1BFF;
	s21 =	sshll.u32 s6, $0x1;
	s3 =	sadd.s32 s4, s19  }
0x9c: {  	s7 =	simm.s32 $0x0;
	s20 =	sshll.u32 s5, $0x1;
	s5 =	sadd.s32 s21, s3  }
0x9d: {  	[timem:s7], [sflag:s22] =	dma.local [hbm:s5], s20  }
0x9e: {  	_ =	swait.ge [sflag:s22], s20  }
0x9f: {  	s4 =	ssub.s32 $0x0, s20;
	[sflag:s22] =	ssyncset.done $0x0  }
0xa0: {  	[sflag:s22] =	ssyncadd.s32 s4;
	_ =	sdelay $0x1  }
0xa1: {  	s23 =	simm.s32 $0x1B8B  }
0xa2: {  	_ =	swait.ge [sflag:s23], $0x1  }
0xa3: {  	[sflag:s23] =	ssyncset.done $0x0  }
0xa4: {  	s25 =	simm.s32 $0x1B8E;
	s24 =	sld [smem:$0x3FFE];
	[sflag:s23] =	ssyncadd.s32 $0xFFFFFFFF  }
0xa5: {  	s26 =	simm.s32 $execute0_lowered;
	[smem:$0x3FD2] =	sst s25  }
0xa6: {  	s5 =	sshll.u32 s26, $0x1;
	_ =	strace $0x80000046;
	[dreg:$0x1] =	wrdreg $0xFFFFFFFF  }
0xa7: {  	s28 =	simm.s32 $_size_execute0_lowered;
	s3 =	sadd.s32 s3, s5;
	[dreg:$0x0] =	wrdreg $0x0  }
0xa8: {  	s5 =	sshll.u32 s28, $0x1;
	[dreg:$0x2] =	wrdreg s3  }
0xa9: {  	[dreg:$0x3] =	wrdreg s5  }
0xaa: {  	[dreg:$0x4] =	wrdreg $0xC0  }
0xab: {  	_ =	task [dreg:s7], $0x5FFFF  }
0xac: {  	[dreg:$0x1] =	wrdreg $0xFFFFFFFF  }
0xad: {  	[dreg:$0x0] =	wrdreg $0x60  }
0xae: {  	[dreg:$0x2] =	wrdreg s24  }
0xaf: {  	[dreg:$0x3] =	wrdreg s2  }
0xb0: {  	[dreg:$0x4] =	wrdreg $0x9  }
0xb1: {  	_ =	task.clear_ibuf [dreg:s7], $0x5FFFF;
	_ =	strace $0x90000046  }
0xb2: {  	s29 =	simm.s32 $0x9;
	_ =	strace $0x80000048  }
0xb3: {  	_ =	swait.ge [sflag:s29], $0x1  }
0xb4: {  	[sflag:s29] =	ssyncadd.s32 $0xFFFFFFFF  }
0xb5: {  	_ =	strace $0x90000048  }
0xb6: {  	_ =	sfence  }
0xb7: {  	s30 =	sld [smem:$0x0];
	_ =	sdelay $0x2  }
0xb8: {  	s31 =	sshll.u32 s1, $0xD;
	s1 =	sshrl.u32 s1, $0x2  }
0xb9: {  	s3 =	sand.u32 $0x4000, s31;
	s1 =	sadd.s32 s1, s30  }
0xba: {  	s0 =	sor.u32 s3, s0;
	s1 =	sshll.u32 s1, $0x11  }
0xbb: {  	s0 =	sor.u32 s1, s0  }
0xbc: {  	s0 =	sadd.s32 $0x8F2B, s0  }
0xbd: {  	[sflag:s0] =	ssyncadd.remote.s32 $0x1  }
0xbe: {  	_ =	sfence.sel $0xFFFF  }
0xbf: {  	[dreg:$0x0] =	wrdreg $0xFFFFFFFF;
	(pc) =	sbr.abs _section_cstart, $3  }
0xc0: {  	[dreg:$0x1] =	wrdreg $0xFFFFFFFF  }
0xc1: {  	_ =	task.clear_ibuf [dreg:s7], $0x2FFFF;
	_ =	strace $0x9FFFFFFF  }
0xc2: {  	(tm) =	ssettm $0x7FFFFFFF  }
0xc3: {  	_ =	shalt  }
tec
execute0_lowered:
.L_overlay_start_1:
0x0: {  	(tag) =	ssettag $0x1  }
0x1: {  	s3 =	rddreg [dreg:$0x0];
	s1 =	srdreg.scid  }
0x2: {  	s0 =	stileid.u32;
	s4 =	rddreg [dreg:$0x1]  }
0x3: {  	s8 =	simm.s32 $0x0;
	s5 =	sand.u32 $0x1, s1;
	s2 =	sshll.u32 s0, $0x1  }
0x4: {  	s6 =	sor.u32 s5, s2;
	s2 =	simm.s32 $0x0;
	s5 =	ssub.s32 $0x2, s5  }
0x5: {  	s6 =	smul.u32 $0x500, s6;
	[smem:$0x7FF] =	sst s2;
	s7 =	sshrl.u32 s5, $0x1  }
0x6: {  	s1 =	rddreg [dreg:$0x2];
	_ =	strace $0x80000047;
	s5 =	ssub.s32 s5, s7  }
0x7: {  	s7 =	simm.s32 $0x2800;
	s3 =	sadd.s32 s6, s3;
	s4 =	sadd.s32 s4, s6  }
0x8: {  	v0 =	vimm.f32 $0.0e+00;
	v1 =	vimm.f32 $1.000000000e+00;
	s5 =	smax.u32 s5, $0x1;
	s6 =	simm.s32 $0x1;
	s3 =	sadd.s32 $0xC00, s3  }
.LBB2_1:
0x9: {  	[tilespmem:s2], [sflag:$0x1] =	stream.linear.gather [hbm4b:s3+s2], $0x2800, $0x38;
	[tilespmem:$0x5000] =	vst v63  }
0xa: {  	_ =	swait.ge [sflag:s6], $0x2800  }
0xb: {  	[sflag:s6] =	ssyncset.done $0x0  }
0xc: {  	s9 =	simm.s32 $0x0;
	[sflag:s6] =	ssyncadd.s32 $0xFFFFD800  }
.LBB2_2:
0xd: {  	p0 =	sne.s32 s9, $0x9FC0  }
.Ltmp0:
0xe: {  	_ = 	snop;
	(pc) =	sbr.rel @p0 .LBB2_2-.Ltmp0, $3  }
0xf: {  	_ =	sdelay $0x1  }
0x10: {  	s10 =	sshra.s32 s9, $0x2  }
0x11: {  	s9 =	sadd.s32 $0x40, s9;
	[tilespmem:s10+$0x2800] =	vst v0  }
0x12: {  	s9 =	simm.s32 $0x0  }
.LBB2_4:
0x13: {  	s10 =	sshra.s32 s9, $0x2  }
0x14: {  	v2 =	vld [tilespmem:s10+$0x0];
	_ =	sdelay $0x7  }
0x15: {  	[tilespmem:v2+s7+$0x0] =	vst.idx.add.f32.msk $0xffff, v1  }
0x16: {  	v2 =	vld [tilespmem:s10+$0x10];
	_ =	sdelay $0x7  }
0x17: {  	[tilespmem:v2+s7+$0x0] =	vst.idx.add.f32.msk $0xffff, v1  }
0x18: {  	v2 =	vld [tilespmem:s10+$0x20];
	_ =	sdelay $0x7  }
0x19: {  	[tilespmem:v2+s7+$0x0] =	vst.idx.add.f32.msk $0xffff, v1  }
0x1a: {  	v2 =	vld [tilespmem:s10+$0x30];
	_ =	sdelay $0x2  }
0x1b: {  	p0 =	sne.s32 s9, $0x9F00  }
.Ltmp1:
0x1c: {  	_ = 	snop;
	(pc) =	sbr.rel @p0 .LBB2_4-.Ltmp1, $2  }
0x1d: {  	_ =	sdelay $0x2  }
0x1e: {  	s9 =	sadd.s32 $0x100, s9;
	[tilespmem:v2+s7+$0x0] =	vst.idx.add.f32.msk $0xffff, v1  }
0x1f: {  	s8 =	sadd.s32 $0x1, s8  }
0x20: {  	p0 =	sne.s32 s8, s5  }
.Ltmp2:
0x21: {  	_ = 	snop;
	(pc) =	sbr.rel @p0 .LBB2_1-.Ltmp2, $4  }
0x22: {  	[hbm4b:s4+s2] =	stream.linear.scatter [tilespmem:s7], [sflag:$0x1], $0x2800, $0x38;
	[tilespmem:$0x5000] =	vst v63  }
0x23: {  	_ =	swait.ge [sflag:s6], $0x2800  }
0x24: {  	[sflag:s6] =	ssyncset.done $0x0  }
0x25: {  	[sflag:s6] =	ssyncadd.s32 $0xFFFFD800  }
0x26: {  	_ =	sfence.sel $0x180000  }
0x27: {  	[bflag:$0x0] =	sbarrier.arrive $0xFFFF  }
0x28: {  	p0 =	sne.s32 s0, $0x0;
	_ =	strace $0x90000047  }
0x29: {  	s0 =	sadd.s32 @!p0 $0x100000, s1;
	[bflag:$0x2] =	sbarrier.arrive $0xFFFF  }
0x2a: {  	[sflag:s0] =	ssyncadd.tile.s32 @!p0 $0x1;
	_ =	shalt  }
.Lfunc_end2:
_tile_overlayer_lowered:
.L_overlay_start_2:
0x2b: {  	(tag) =	ssettag $0x2  }
0x2c: {  	s0 =	rddreg [dreg:$0x0];
	s2 =	stileid.u32  }
0x2d: {  	s1 =	rddreg [dreg:$0x1];
	p0 =	sne.s32 s2, $0x0  }
0x2e: {  	s3 =	rddreg [dreg:$0x2];
	[bflag:$0x3] =	sbarrier.arrive $0xFFFF;
	s2 =	simm.s32 @!p0 $0x1C01  }
0x2f: {  	[timem:s3], [sflag:s2] =	dma.local @!p0 [hbm:s0], s1  }
0x30: {  	s0 =	simm.s32 @!p0 $0x1  }
0x31: {  	_ =	swait.ge @!p0 [sflag:s0], s1  }
0x32: {  	s1 =	ssub.s32 @!p0 $0x0, s1;
	[sflag:s0] =	ssyncset.done @!p0 $0x0  }
0x33: {  	[sflag:s0] =	ssyncadd.s32 @!p0 s1  }
0x34: {  	[bflag:$0x3] =	sbarrier.arrive $0xFFFF  }
0x35: {  	_ =	shalt  }

// kernel: kernel.9.cloned.1.call-start
scs
__scs_entry_jumppad:
0x0: {  	(pc) =	sbr.rel $0x88, $3  }
0x1: {  	(tag) =	ssettag $0x0;
	lr =	simm.s32 $0x1  }
0x2: {  	[smem:$0x3F9D] =	sst lr;
	_ =	strace $0xD0000000  }
0x3: {  	_ = 	snop  }
0x4: {  	_ = 	snop  }
0x5: {  	_ = 	snop  }
0x6: {  	_ = 	snop  }
0x7: {  	_ = 	snop  }
__scs_overlays_trampoline_lowered:
0x8: {  	[smem:$0x3FAC] =	sst s0  }
0x9: {  	[smem:$0x3FAD] =	sst s1  }
0xa: {  	[smem:$0x3FAE] =	sst s2  }
0xb: {  	[smem:$0x3FAF] =	sst s3  }
0xc: {  	[smem:$0x3FB0] =	sst s4  }
0xd: {  	[smem:$0x3FB1] =	sst s5  }
0xe: {  	[smem:$0x3FB2] =	sst s6  }
0xf: {  	[smem:$0x3FB3] =	sst s7  }
0x10: {  	[smem:$0x3FB4] =	sst s8  }
0x11: {  	[smem:$0x3FB5] =	sst s9;
	s0 =	simm.s32 @!p0 $0x0  }
0x12: {  	s1 =	sld [smem:$0x3F9B];
	s0 =	simm.s32 @p0 $0x1  }
0x13: {  	[smem:$0x3FB6] =	sst s0;
	s0 =	simm.s32 @!p1 $0x0  }
0x14: {  	s2 =	sld [smem:$0x3F9A];
	s0 =	simm.s32 @p1 $0x1  }
0x15: {  	[smem:$0x3FB7] =	sst s0;
	s0 =	simm.s32 @!p2 $0x0  }
0x16: {  	s3 =	sld [smem:$0x3FDB];
	s0 =	simm.s32 @p2 $0x1  }
0x17: {  	s4 =	simm.s32 $0x1BF5;
	[smem:$0x3FB9] =	sst s0  }
0x18: {  	s0 =	sld [smem:$0x3F9C];
	_ =	swait.ge [sflag:s4], $0x0  }
0x19: {  	s7 =	sld [smem:$0x3F9D]  }
0x1a: {  	s8 =	sadd.s32 $0xFFFFE003, lr  }
0x1b: {  	s9 =	sadd.s32 $0xFFFFFEF7, lr;
	s5 =	simm.s32 $0xFFFFFFFF;
	p2 =	slt.u32 s8, $0xFFFFF086  }
0x1c: {  	p1 =	slt.u32 s9, $0xF7A;
	s5 =	simm.s32 @!p2 $0x0  }
0x1d: {  	s5 =	simm.s32 @p1 $0x1;
	p0 =	seq.s32 s7, s2  }
0x1e: {  	s7 =	smul.u32 @!p0 $0xF7A, s2;
	p2 =	seq.s32 @!p0 s5, $0x0  }
0x1f: {  	s9 =	smul.u32 $0xF7A, s1;
	s8 =	simm.s32 @!p0 $0x1BF5;
	p2 =	por !p2, p0  }
0x20: {  	[sflag:s8] =	ssyncset.s32 @!p0 $0xFFFFF086;
	s6 =	sadd.s32 @!p0 s3, s7;
	s7 =	simm.s32 @!p0 $0x108  }
0x21: {  	s3 =	sadd.s32 s3, s9;
	s6 =	sadd.s32 @!p0 $0x88, s6;
	s7 =	simm.s32 @p2 $0x1082  }
0x22: {  	[simem:s7], [sflag:s8] =	dma.local @!p0 [hbm:s6], $0xF7A  }
0x23: {  	s9 =	sor.u32 $0xD0000000, s2;
	s6 =	simm.s32 $0x108;
	_ =	swait.ge @!p0 [sflag:s8], $0x0  }
0x24: {  	s3 =	sadd.s32 $0x88, s3;
	s6 =	simm.s32 @!p1 $0x1082;
	[sflag:s4] =	ssyncset.s32 $0xFFFFF086  }
0x25: {  	[simem:s6], [sflag:s4] =	dma.local [hbm:s3], $0xF7A  }
0x26: {  	[smem:$0x3F9D] =	sst s1;
	(tag) =	ssettag s2;
	_ =	strace s9  }
0x27: {  	s1 =	sld [smem:$0x3FAD]  }
0x28: {  	s2 =	sld [smem:$0x3FAE]  }
0x29: {  	s4 =	sld [smem:$0x3FB0]  }
0x2a: {  	p0 =	seq.s32 s5, $0x0;
	s5 =	sld [smem:$0x3FB1]  }
0x2b: {  	s6 =	sld [smem:$0x3FB2]  }
0x2c: {  	s7 =	sld [smem:$0x3FB3]  }
0x2d: {  	s3 =	simm.s32 $0x108;
	s8 =	sld [smem:$0x3FB4]  }
0x2e: {  	s3 =	simm.s32 @!p0 $0x1082;
	s9 =	sld [smem:$0x3FB5]  }
0x2f: {  	lr =	sadd.s32 s0, s3;
	s0 =	sld [smem:$0x3FAC]  }
0x30: {  	s3 =	sld [smem:$0x3FAF]  }
0x31: {  	[smem:$0x3FB8] =	sst s10  }
0x32: {  	s10 =	sld [smem:$0x3FB6];
	_ =	sdelay $0x3  }
0x33: {  	p0 =	seq.s32 s10, $0x1;
	s10 =	sld [smem:$0x3FB8];
	_ =	sdelay $0x3  }
0x34: {  	[smem:$0x3FB8] =	sst s10  }
0x35: {  	s10 =	sld [smem:$0x3FB7];
	_ =	sdelay $0x3  }
0x36: {  	p1 =	seq.s32 s10, $0x1;
	s10 =	sld [smem:$0x3FB8];
	_ =	sdelay $0x3  }
0x37: {  	[smem:$0x3FB8] =	sst s10  }
0x38: {  	s10 =	sld [smem:$0x3FB9]  }
0x39: {  	_ = 	snop;
	(pc) =	sbr.ind lr, $3  }
0x3a: {  	_ = 	snop  }
0x3b: {  	_ = 	snop  }
0x3c: {  	p2 =	seq.s32 s10, $0x1;
	s10 =	sld [smem:$0x3FB8]  }
0x3d: {  	_ =	shalt  }
0x3e: {  	_ =	shalt  }
0x3f: {  	_ =	shalt  }
0x40: {  	_ =	shalt  }
0x41: {  	_ =	shalt  }
0x42: {  	_ =	shalt  }
0x43: {  	_ =	shalt  }
0x44: {  	_ =	shalt  }
0x45: {  	_ =	shalt  }
0x46: {  	_ =	shalt  }
0x47: {  	_ =	shalt  }
0x48: {  	_ =	shalt  }
0x49: {  	_ =	shalt  }
0x4a: {  	_ =	shalt  }
0x4b: {  	_ =	shalt  }
0x4c: {  	_ =	shalt  }
0x4d: {  	_ =	shalt  }
0x4e: {  	_ =	shalt  }
0x4f: {  	_ =	shalt  }
0x50: {  	_ =	shalt  }
0x51: {  	_ =	shalt  }
0x52: {  	_ =	shalt  }
0x53: {  	_ =	shalt  }
0x54: {  	_ =	shalt  }
0x55: {  	_ =	shalt  }
0x56: {  	_ =	shalt  }
0x57: {  	_ =	shalt  }
0x58: {  	_ =	shalt  }
0x59: {  	_ =	shalt  }
0x5a: {  	_ =	shalt  }
0x5b: {  	_ =	shalt  }
0x5c: {  	_ =	shalt  }
0x5d: {  	_ =	shalt  }
0x5e: {  	_ =	shalt  }
0x5f: {  	_ =	shalt  }
0x60: {  	_ =	shalt  }
0x61: {  	_ =	shalt  }
0x62: {  	_ =	shalt  }
0x63: {  	_ =	shalt  }
0x64: {  	_ =	shalt  }
0x65: {  	_ =	shalt  }
0x66: {  	_ =	shalt  }
0x67: {  	_ =	shalt  }
0x68: {  	_ =	shalt  }
0x69: {  	_ =	shalt  }
0x6a: {  	_ =	shalt  }
0x6b: {  	_ =	shalt  }
0x6c: {  	_ =	shalt  }
0x6d: {  	_ =	shalt  }
0x6e: {  	_ =	shalt  }
0x6f: {  	_ =	shalt  }
0x70: {  	_ =	shalt  }
0x71: {  	_ =	shalt  }
0x72: {  	_ =	shalt  }
0x73: {  	_ =	shalt  }
0x74: {  	_ =	shalt  }
0x75: {  	_ =	shalt  }
0x76: {  	_ =	shalt  }
0x77: {  	_ =	shalt  }
0x78: {  	_ =	shalt  }
0x79: {  	_ =	shalt  }
0x7a: {  	_ =	shalt  }
0x7b: {  	_ =	shalt  }
0x7c: {  	_ =	shalt  }
0x7d: {  	_ =	shalt  }
0x7e: {  	_ =	shalt  }
0x7f: {  	_ =	shalt  }
0x80: {  	_ =	shalt  }
0x81: {  	_ =	shalt  }
0x82: {  	_ =	shalt  }
0x83: {  	_ =	shalt  }
0x84: {  	_ =	shalt  }
0x85: {  	_ =	shalt  }
0x86: {  	_ =	shalt  }
0x87: {  	_ =	shalt  }
.Lfunc_end0:
.L_simem_size_0:
called_computation.1_lowered:
.L_overlay_start_0:
0x88: {  	s2 =	sld [smem:$0x3FD9]  }
0x89: {  	s3 =	sld [smem:$0x3FFE];
	_ =	sdelay $0x1  }
0x8a: {  	s1 =	srdreg.scid  }
0x8b: {  	s0 =	sand.u32 $0x1, s1  }
0x8c: {  	s17 =	sshll.u32 s0, $0xA;
	s2 =	sadd.s32 s3, s2  }
0x8d: {  	s2 =	sadd.s32 s2, s17  }
0x8e: {  	[smem:$0x3FC4] =	sst s2  }
0x8f: {  	_ = 	snop  }
0x90: {  	s2 =	sld [smem:$0x3FD0];
	(tm) =	ssettm $0x1  }
0x91: {  	s18 =	sld [smem:$0x3FFB];
	_ =	sdelay $0x3  }
0x92: {  	_ =	strace s18  }
0x93: {  	s3 =	sld [smem:$0x3FFC];
	_ =	sdelay $0x3  }
0x94: {  	_ =	strace s3  }
0x95: {  	s3 =	sld [smem:$0x3FFD];
	_ =	sdelay $0x3  }
0x96: {  	_ =	strace s3  }
0x97: {  	_ =	strace $0x8FFFFFFF  }
0x98: {  	s19 =	sld [smem:$0x3FDB];
	_ =	sdelay $0x1  }
0x99: {  	s4 =	simm.s32 $_scs_section_size  }
0x9a: {  	s5 =	simm.s32 $_size__tile_overlayer_lowered;
	s6 =	simm.s32 $_tile_overlayer_lowered  }
0x9b: {  	s22 =	simm.s32 $0x1BFF;
	s21 =	sshll.u32 s6, $0x1;
	s3 =	sadd.s32 s4, s19  }
0x9c: {  	s7 =	simm.s32 $0x0;
	s20 =	sshll.u32 s5, $0x1;
	s5 =	sadd.s32 s21, s3  }
0x9d: {  	[timem:s7], [sflag:s22] =	dma.local [hbm:s5], s20  }
0x9e: {  	_ =	swait.ge [sflag:s22], s20  }
0x9f: {  	s4 =	ssub.s32 $0x0, s20;
	[sflag:s22] =	ssyncset.done $0x0  }
0xa0: {  	[sflag:s22] =	ssyncadd.s32 s4;
	_ =	sdelay $0x1  }
0xa1: {  	s23 =	simm.s32 $0x1B8B  }
0xa2: {  	_ =	swait.ge [sflag:s23], $0x1  }
0xa3: {  	[sflag:s23] =	ssyncset.done $0x0  }
0xa4: {  	s25 =	simm.s32 $0x1B8E;
	s24 =	sld [smem:$0x3FFE];
	[sflag:s23] =	ssyncadd.s32 $0xFFFFFFFF  }
0xa5: {  	s26 =	simm.s32 $execute0_lowered;
	[smem:$0x3FD2] =	sst s25  }
0xa6: {  	s5 =	sshll.u32 s26, $0x1;
	_ =	strace $0x80000049;
	[dreg:$0x1] =	wrdreg $0xFFFFFFFF  }
0xa7: {  	s28 =	simm.s32 $_size_execute0_lowered;
	s3 =	sadd.s32 s3, s5;
	[dreg:$0x0] =	wrdreg $0x0  }
0xa8: {  	s5 =	sshll.u32 s28, $0x1;
	[dreg:$0x2] =	wrdreg s3  }
0xa9: {  	[dreg:$0x3] =	wrdreg s5  }
0xaa: {  	[dreg:$0x4] =	wrdreg $0xC0  }
0xab: {  	_ =	task [dreg:s7], $0x5FFFF  }
0xac: {  	[dreg:$0x1] =	wrdreg $0xFFFFFFFF  }
0xad: {  	[dreg:$0x0] =	wrdreg $0x60  }
0xae: {  	[dreg:$0x2] =	wrdreg s2  }
0xaf: {  	[dreg:$0x3] =	wrdreg s24  }
0xb0: {  	[dreg:$0x4] =	wrdreg $0x140000  }
0xb1: {  	[dreg:$0x5] =	wrdreg $0x9  }
0xb2: {  	_ =	task.clear_ibuf [dreg:s7], $0x6FFFF;
	_ =	strace $0x90000049  }
0xb3: {  	s29 =	simm.s32 $0x9;
	_ =	strace $0x8000004B  }
0xb4: {  	_ =	swait.ge [sflag:s29], $0x1  }
0xb5: {  	[sflag:s29] =	ssyncadd.s32 $0xFFFFFFFF  }
0xb6: {  	_ =	strace $0x9000004B  }
0xb7: {  	_ =	sfence  }
0xb8: {  	s30 =	sld [smem:$0x0];
	_ =	sdelay $0x2  }
0xb9: {  	s31 =	sshll.u32 s1, $0xD;
	s1 =	sshrl.u32 s1, $0x2  }
0xba: {  	s3 =	sand.u32 $0x4000, s31;
	s1 =	sadd.s32 s1, s30  }
0xbb: {  	s0 =	sor.u32 s3, s0;
	s1 =	sshll.u32 s1, $0x11  }
0xbc: {  	s0 =	sor.u32 s1, s0  }
0xbd: {  	s0 =	sadd.s32 $0x8F2B, s0  }
0xbe: {  	[sflag:s0] =	ssyncadd.remote.s32 $0x1  }
0xbf: {  	_ =	sfence.sel $0xFFFF  }
0xc0: {  	[dreg:$0x0] =	wrdreg $0xFFFFFFFF;
	(pc) =	sbr.abs _section_cstart, $3  }
0xc1: {  	[dreg:$0x1] =	wrdreg $0xFFFFFFFF  }
0xc2: {  	_ =	task.clear_ibuf [dreg:s7], $0x2FFFF;
	_ =	strace $0x9FFFFFFF  }
0xc3: {  	(tm) =	ssettm $0x7FFFFFFF  }
tec
execute0_lowered:
.L_overlay_start_1:
0x0: {  	(tag) =	ssettag $0x1  }
0x1: {  	s0 =	rddreg [dreg:$0x0]  }
0x2: {  	s4 =	rddreg [dreg:$0x1];
	s1 =	stileid.u32  }
0x3: {  	s2 =	rddreg [dreg:$0x2];
	s3 =	simm.s32 $0x0;
	s5 =	smul.u32 $0xA00, s1  }
0x4: {  	s6 =	srdreg.scid;
	s28 =	simm.s32 $0x0;
	s7 =	smul.u32 $0x28000, s1  }
0x5: {  	[smem:$0x7FF] =	sst s3;
	s8 =	sand.u32 $0x1, s6;
	s19 =	smul.u32 $0xA000, s1  }
0x6: {  	s22 =	sadd.s32 $0x14C00, s4;
	_ =	strace $0x8000004A;
	s9 =	smul.u32 $0x13880, s8  }
0x7: {  	s25 =	ssub.s32 $0x2, s8;
	s30 =	smul.u32 $0xA0000, s8;
	s24 =	sadd.s32 s5, s4  }
0x8: {  	s26 =	sshrl.u32 s25, $0x1;
	s29 =	sshrl.u32 s7, $0x2;
	s8 =	sadd.s32 s19, s2  }
0x9: {  	s15 =	sadd.s32 $0x2000, s19;
	s17 =	sadd.s32 $0x4000, s19;
	s20 =	sadd.s32 $0x6000, s19  }
0xa: {  	s23 =	sadd.s32 $0x8000, s19;
	s10 =	ssub.s32 s25, s26;
	s4 =	sadd.s32 s29, s2  }
0xb: {  	s5 =	sadd.s32 $0xAC00, s24;
	s6 =	sadd.s32 $0xC00, s24;
	s7 =	sadd.s32 s0, s9  }
0xc: {  	s14 =	sadd.s32 s30, s19;
	s16 =	sadd.s32 s30, s15;
	s15 =	sadd.s32 s15, s2  }
0xd: {  	s18 =	sadd.s32 s30, s17;
	s17 =	sadd.s32 s17, s2;
	s21 =	sadd.s32 s30, s20  }
0xe: {  	s19 =	sadd.s32 s20, s2;
	s0 =	sadd.s32 s30, s23;
	s24 =	simm.s32 $0x11  }
0xf: {  	s26 =	simm.s32 $0x40;
	s9 =	smax.u32 s10, $0x1;
	s10 =	sadd.s32 $0x2000, s4  }
0x10: {  	s11 =	sadd.s32 $0x4000, s4;
	s12 =	sadd.s32 $0x6000, s4;
	s13 =	sadd.s32 $0x8000, s4  }
0x11: {  	s14 =	sshrl.u32 s14, $0x3;
	s16 =	sshrl.u32 s16, $0x3;
	s18 =	sshrl.u32 s18, $0x3  }
0x12: {  	s31 =	sshrl.u32 s21, $0x3;
	s21 =	sadd.s32 s23, s2;
	s0 =	sshrl.u32 s0, $0x3  }
0x13: {  	s23 =	simm.s32 $0x12000;
	s14 =	sadd.s32 s22, s14;
	s16 =	sadd.s32 s22, s16  }
0x14: {  	v0 =	vimm.f32 $0.0e+00;
	s18 =	sadd.s32 s22, s18;
	s20 =	sadd.s32 s22, s31;
	s22 =	sadd.s32 s22, s0  }
.LBB2_1:
0x15: {  	s30 =	simm.s32 $0x100;
	s29 =	simm.s32 $0x0  }
.LBB2_2:
0x16: {  	p0 =	sne.s32 s30, $0x7F00;
	[tilespmem:s29+$0x12030] =	vst v0;
	s0 =	smov.u32 s30;
	s30 =	sadd.s32 $0x100, s30  }
.Ltmp0:
0x17: {  	[tilespmem:s29+$0x12020] =	vst v0;
	(pc) =	sbr.rel @p0 .LBB2_2-.Ltmp0, $3  }
0x18: {  	[tilespmem:s29+$0x12000] =	vst v0  }
0x19: {  	[tilespmem:s29+$0x12010] =	vst v0;
	_ =	sdelay $0x1  }
0x1a: {  	s29 =	sshra.s32 s0, $0x2  }
0x1b: {  	[tilespmem:s29+$0x12030] =	vst v0  }
0x1c: {  	[tilespmem:s29+$0x12020] =	vst v0  }
0x1d: {  	[tilespmem:s29+$0x12000] =	vst v0  }
0x1e: {  	[tilespmem:s29+$0x12010] =	vst v0  }
0x1f: {  	[spmem:s4] =	stream.linear.scatter [tilespmem:s23], [sflag:$0x11], $0x2000, $0x38;
	[tilespmem:$0x1E000] =	vst v63  }
0x20: {  	_ =	swait.ge [sflag:s24], $0x2000  }
0x21: {  	[sflag:s24] =	ssyncset.done $0x0  }
0x22: {  	[sflag:s24] =	ssyncadd.s32 $0xFFFFE000  }
0x23: {  	[spmem:s10] =	stream.linear.scatter [tilespmem:s23], [sflag:$0x11], $0x2000, $0x38;
	[tilespmem:$0x1E000] =	vst v63  }
0x24: {  	_ =	swait.ge [sflag:s24], $0x2000  }
0x25: {  	[sflag:s24] =	ssyncset.done $0x0  }
0x26: {  	[sflag:s24] =	ssyncadd.s32 $0xFFFFE000  }
0x27: {  	[spmem:s11] =	stream.linear.scatter [tilespmem:s23], [sflag:$0x11], $0x2000, $0x38;
	[tilespmem:$0x1E000] =	vst v63  }
0x28: {  	_ =	swait.ge [sflag:s24], $0x2000  }
0x29: {  	[sflag:s24] =	ssyncset.done $0x0  }
0x2a: {  	[sflag:s24] =	ssyncadd.s32 $0xFFFFE000  }
0x2b: {  	[spmem:s12] =	stream.linear.scatter [tilespmem:s23], [sflag:$0x11], $0x2000, $0x38;
	[tilespmem:$0x1E000] =	vst v63  }
0x2c: {  	_ =	swait.ge [sflag:s24], $0x2000  }
0x2d: {  	[sflag:s24] =	ssyncset.done $0x0  }
0x2e: {  	[sflag:s24] =	ssyncadd.s32 $0xFFFFE000  }
0x2f: {  	[spmem:s13] =	stream.linear.scatter [tilespmem:s23], [sflag:$0x11], $0x2000, $0x38;
	[tilespmem:$0x1E000] =	vst v63  }
0x30: {  	_ =	swait.ge [sflag:s24], $0x2000  }
0x31: {  	[sflag:s24] =	ssyncset.done $0x0  }
0x32: {  	s29 =	simm.s32 $0x0;
	[sflag:s24] =	ssyncadd.s32 $0xFFFFE000  }
0x33: {  	[tilespmem:s29], [sflag:$0x11] =	stream.linear.gather [hbm4b:s5+s29], $0x5000, $0x38;
	[tilespmem:$0x1E000] =	vst v63  }
0x34: {  	_ =	swait.ge [sflag:s24], $0x5000  }
0x35: {  	[sflag:s24] =	ssyncset.done $0x0  }
0x36: {  	s0 =	simm.s32 $0x5000;
	[sflag:s24] =	ssyncadd.s32 $0xFFFFB000  }
0x37: {  	[tilespmem:s0], [sflag:$0x11] =	stream.linear.gather [hbm4b:s6+s29], $0x5000, $0x38;
	[tilespmem:$0x1E000] =	vst v63  }
0x38: {  	_ =	swait.ge [sflag:s24], $0x5000  }
0x39: {  	[sflag:s24] =	ssyncset.done $0x0  }
0x3a: {  	[sflag:s24] =	ssyncadd.s32 $0xFFFFB000  }
0x3b: {  	s30 =	simm.s32 $0x4F00;
	s31 =	simm.s32 $0x0;
	[bflag:$0x0] =	sbarrier.arrive $0xFFFF  }
.LBB2_4:
0x3c: {  	s0 =	sand.u32 $0x7, s31;
	p0 =	slt.u32 s31, $0x8  }
0x3d: {  	s1 =	sadd.s32 @!p0 $0x9, s0  }
0x3e: {  	p1 =	sgt.u32 @!p0 s31, $0x13F;
	_ =	swait.ge @!p0 [sflag:s1], $0x1000  }
0x3f: {  	p1 =	por p0, !p1;
	[sflag:s1] =	ssyncset.done @!p0 $0x0  }
0x40: {  	[sflag:s1] =	ssyncadd.s32 @!p0 $0xFFFFF000;
	s1 =	sshll.u32 @p1 s0, $0xC  }
0x41: {  	s0 =	sadd.s32 @p1 $0x1, s0;
	s1 =	sadd.s32 @p1 $0xA000, s1  }
0x42: {  	[tilespmem:s1], [sflag:s0] =	stream.indirect.gather @p1 [hbm4b:s7+s26], $0x40, s29, s26, $0xb8;
	[tilespmem:$0x1E000] =	vst v63  }
0x43: {  	s0 =	sadd.s32 $0xFFFFFFFC, s31  }
0x44: {  	p0 =	sgt.u32 s0, $0x13F  }
0x45: {  	s0 =	sand.u32 @!p0 $0x7, s0  }
0x46: {  	s1 =	sadd.s32 @!p0 $0x1, s0  }
0x47: {  	s31 =	sadd.s32 $0x1, s31;
	_ =	swait.ge @!p0 [sflag:s1], $0x1000  }
0x48: {  	s25 =	sshll.u32 @!p0 s0, $0xC;
	s0 =	sadd.s32 @!p0 $0x9, s0;
	[sflag:s1] =	ssyncset.done @!p0 $0x0  }
0x49: {  	s25 =	sadd.s32 @!p0 $0xA000, s25;
	[sflag:s1] =	ssyncadd.s32 @!p0 $0xFFFFF000;
	s1 =	simm.s32 @!p0 $0x40  }
0x4a: {  	[spmem:s2] =	stream.indirect.scatter.add.f32 @!p0 [tilespmem:s25], [sflag:s0], $0x40, s30, s1, $0xb8;
	[tilespmem:$0x1E000] =	vst v63  }
0x4b: {  	p0 =	sne.s32 s31, $0x148  }
.Ltmp1:
0x4c: {  	_ = 	snop;
	(pc) =	sbr.rel @p0 .LBB2_4-.Ltmp1, $2  }
0x4d: {  	_ =	sdelay $0x2  }
0x4e: {  	s29 =	sadd.s32 $0x40, s29;
	s30 =	sadd.s32 $0x40, s30  }
0x4f: {  	[bflag:$0x0] =	sbarrier.arrive $0xFFFF  }
0x50: {  	[tilespmem:s23], [sflag:$0x11] =	stream.linear.gather [spmem:s8], $0x2000, $0x38;
	[tilespmem:$0x1E000] =	vst v63  }
0x51: {  	_ =	swait.ge [sflag:s24], $0x2000  }
0x52: {  	[sflag:s24] =	ssyncset.done $0x0  }
0x53: {  	[sflag:s24] =	ssyncadd.s32 $0xFFFFE000  }
0x54: {  	[hbm4b:s14+s3] =	stream.linear.scatter [tilespmem:s23], [sflag:$0x11], $0x2000, $0x38;
	[tilespmem:$0x1E000] =	vst v63  }
0x55: {  	_ =	swait.ge [sflag:s24], $0x2000  }
0x56: {  	[sflag:s24] =	ssyncset.done $0x0  }
0x57: {  	[sflag:s24] =	ssyncadd.s32 $0xFFFFE000  }
0x58: {  	[tilespmem:s23], [sflag:$0x11] =	stream.linear.gather [spmem:s15], $0x2000, $0x38;
	[tilespmem:$0x1E000] =	vst v63  }
0x59: {  	_ =	swait.ge [sflag:s24], $0x2000  }
0x5a: {  	[sflag:s24] =	ssyncset.done $0x0  }
0x5b: {  	[sflag:s24] =	ssyncadd.s32 $0xFFFFE000  }
0x5c: {  	[hbm4b:s16+s3] =	stream.linear.scatter [tilespmem:s23], [sflag:$0x11], $0x2000, $0x38;
	[tilespmem:$0x1E000] =	vst v63  }
0x5d: {  	_ =	swait.ge [sflag:s24], $0x2000  }
0x5e: {  	[sflag:s24] =	ssyncset.done $0x0  }
0x5f: {  	[sflag:s24] =	ssyncadd.s32 $0xFFFFE000  }
0x60: {  	[tilespmem:s23], [sflag:$0x11] =	stream.linear.gather [spmem:s17], $0x2000, $0x38;
	[tilespmem:$0x1E000] =	vst v63  }
0x61: {  	_ =	swait.ge [sflag:s24], $0x2000  }
0x62: {  	[sflag:s24] =	ssyncset.done $0x0  }
0x63: {  	[sflag:s24] =	ssyncadd.s32 $0xFFFFE000  }
0x64: {  	[hbm4b:s18+s3] =	stream.linear.scatter [tilespmem:s23], [sflag:$0x11], $0x2000, $0x38;
	[tilespmem:$0x1E000] =	vst v63  }
0x65: {  	_ =	swait.ge [sflag:s24], $0x2000  }
0x66: {  	[sflag:s24] =	ssyncset.done $0x0  }
0x67: {  	[sflag:s24] =	ssyncadd.s32 $0xFFFFE000  }
0x68: {  	[tilespmem:s23], [sflag:$0x11] =	stream.linear.gather [spmem:s19], $0x2000, $0x38;
	[tilespmem:$0x1E000] =	vst v63  }
0x69: {  	_ =	swait.ge [sflag:s24], $0x2000  }
0x6a: {  	[sflag:s24] =	ssyncset.done $0x0  }
0x6b: {  	[sflag:s24] =	ssyncadd.s32 $0xFFFFE000  }
0x6c: {  	[hbm4b:s20+s3] =	stream.linear.scatter [tilespmem:s23], [sflag:$0x11], $0x2000, $0x38;
	[tilespmem:$0x1E000] =	vst v63  }
0x6d: {  	_ =	swait.ge [sflag:s24], $0x2000  }
0x6e: {  	[sflag:s24] =	ssyncset.done $0x0  }
0x6f: {  	[sflag:s24] =	ssyncadd.s32 $0xFFFFE000  }
0x70: {  	[tilespmem:s23], [sflag:$0x11] =	stream.linear.gather [spmem:s21], $0x2000, $0x38;
	[tilespmem:$0x1E000] =	vst v63  }
0x71: {  	s28 =	sadd.s32 $0x1, s28;
	_ =	swait.ge [sflag:s24], $0x2000  }
0x72: {  	p0 =	sne.s32 s28, s9;
	[sflag:s24] =	ssyncset.done $0x0  }
.Ltmp2:
0x73: {  	[sflag:s24] =	ssyncadd.s32 $0xFFFFE000;
	(pc) =	sbr.rel @p0 .LBB2_1-.Ltmp2, $4  }
0x74: {  	[hbm4b:s22+s3] =	stream.linear.scatter [tilespmem:s23], [sflag:$0x11], $0x2000, $0x38;
	[tilespmem:$0x1E000] =	vst v63  }
0x75: {  	_ =	swait.ge [sflag:s24], $0x2000  }
0x76: {  	[sflag:s24] =	ssyncset.done $0x0  }
0x77: {  	[sflag:s24] =	ssyncadd.s32 $0xFFFFE000  }
0x78: {  	_ =	sfence.sel $0x180000  }
0x79: {  	[bflag:$0x0] =	sbarrier.arrive $0xFFFF  }
0x7a: {  	_ =	strace $0x9000004A  }
0x7b: {  	s0 =	stileid.u32;
	[bflag:$0x2] =	sbarrier.arrive $0xFFFF  }
0x7c: {  	p0 =	sne.s32 s0, $0x0;
	s0 =	rddreg [dreg:$0x3]  }
0x7d: {  	s0 =	sadd.s32 @!p0 $0x100000, s0  }
0x7e: {  	[sflag:s0] =	ssyncadd.tile.s32 @!p0 $0x1;
	_ =	shalt  }
.Lfunc_end2:
_tile_overlayer_lowered:
.L_overlay_start_2:
0x7f: {  	(tag) =	ssettag $0x2  }
0x80: {  	s0 =	rddreg [dreg:$0x0];
	s2 =	stileid.u32  }
0x81: {  	s1 =	rddreg [dreg:$0x1];
	p0 =	sne.s32 s2, $0x0  }
0x82: {  	s3 =	rddreg [dreg:$0x2];
	[bflag:$0x3] =	sbarrier.arrive $0xFFFF;
	s2 =	simm.s32 @!p0 $0x1C11  }
0x83: {  	[timem:s3], [sflag:s2] =	dma.local @!p0 [hbm:s0], s1  }
0x84: {  	s0 =	simm.s32 @!p0 $0x11  }
0x85: {  	_ =	swait.ge @!p0 [sflag:s0], s1  }
0x86: {  	s1 =	ssub.s32 @!p0 $0x0, s1;
	[sflag:s0] =	ssyncset.done @!p0 $0x0  }
0x87: {  	[sflag:s0] =	ssyncadd.s32 @!p0 s1  }
0x88: {  	[bflag:$0x3] =	sbarrier.arrive $0xFFFF  }
0x89: {  	_ =	shalt  }

</sc_bundles>
